<compile_context>
chip_gen: v7x
topology: tpu7x:2x2x1
jax: 0.10.2.dev20260603
libtpu: 0.0.44.dev20260713+nightly
codegen_flags: <defaults>
</compile_context>

<pallas_src>
import jax
import jax.numpy as jnp
from jax import lax
from jax.experimental import pallas as pl
from jax.experimental.pallas import tpu as pltpu
from jax.experimental.pallas import tpu_sc as plsc

B, H, W, C = 4, 128, 128, 192
H2, W2 = 2 * H, 2 * W
N_IN = H * W * C
N_OUT = H2 * W2 * C

NC, NS, L = 2, 16, 16
WIN = 1_572_864
PASSES = N_OUT // WIN
TRASH = 8192
PER_TILE = N_IN // NS
CHUNK = 4096
N_CHUNKS = PER_TILE // CHUNK
COLCAP = CHUNK // L
SEG = 512
CCAP = CHUNK + SEG
ZCHUNK = 4096
TILE_WIN = WIN // NS
BATCHES_PER_CORE = B // NC
NSETS = 2
N_GROUPS = N_CHUNKS // NSETS


def _unpool_body(upd_hbm, mask_hbm, out_hbm,
                 idx_v0, idx_v1, val_v0, val_v1, zero_v, cidx, cval, win_sh,
                 isem0, isem1, vsem0, vsem1):
    idx_v = (idx_v0, idx_v1)
    val_v = (val_v0, val_v1)
    isem = (isem0, isem1)
    vsem = (vsem0, vsem1)
    lane = lax.iota(jnp.int32, L)
    c = lax.axis_index("c")
    s_axis = lax.axis_index("s")

    def zfill(j, cv):
        zero_v[pl.ds(j * L, L)] = jnp.zeros((L,), jnp.float32)
        return cv

    lax.fori_loop(0, ZCHUNK // L, zfill, 0)

    def fire_in(i, s, in_base):
        start = in_base + i * CHUNK
        pltpu.async_copy(mask_hbm.at[pl.ds(start, CHUNK)], idx_v[s], isem[s])
        pltpu.async_copy(upd_hbm.at[pl.ds(start, CHUNK)], val_v[s], vsem[s])

    def wait_in(i, s, in_base):
        start = in_base + i * CHUNK
        pltpu.make_async_copy(mask_hbm.at[pl.ds(start, CHUNK)], idx_v[s],
                              isem[s]).wait()
        pltpu.make_async_copy(upd_hbm.at[pl.ds(start, CHUNK)], val_v[s],
                              vsem[s]).wait()

    def pass_body(bp, carry):
        bi = bp >> 3
        p = bp & (PASSES - 1)
        b = bi * NC + c
        lo = p * WIN
        in_base = b * N_IN + s_axis * PER_TILE

        fire_in(0, 0, in_base)

        def zcopy(z, cv):
            pltpu.sync_copy(
                zero_v,
                win_sh.at[pl.ds(s_axis * TILE_WIN + z * ZCHUNK, ZCHUNK)])
            return cv

        lax.fori_loop(0, TILE_WIN // ZCHUNK, zcopy, 0)
        plsc.subcore_barrier()

        def group_body(g, carry2):
            for s in range(NSETS):
                i = g * NSETS + s
                s2 = s ^ 1
                wait_in(i, s, in_base)

                @pl.when(i <= N_CHUNKS - 2)
                def _():
                    fire_in(i + 1, s2, in_base)

                def cbody(o, col, s=s):
                    iv = idx_v[s][pl.ds(o, L)]
                    u = iv - lo
                    m = plsc.bitcast(u, jnp.uint32) < jnp.uint32(WIN)
                    vv = val_v[s][pl.ds(o, L)]
                    pos = col * L + lane
                    plsc.store_scatter(cidx, [pos], u, mask=m)
                    plsc.store_scatter(cval, [pos], vv, mask=m)
                    return col + m.astype(jnp.int32)

                col = plsc.parallel_loop(
                    0, CHUNK, L, unroll=4,
                    carry=jnp.zeros((L,), jnp.int32))(cbody)

                mx = plsc.cummax(col)[L - 1]
                rows = ((mx + SEG // L - 1) // (SEG // L)) * (SEG // L)

                def pbody(r, cv):
                    pm = col <= r
                    pos = r * L + lane
                    plsc.store_scatter(cidx, [pos], lane * 1024 + (r & 1023),
                                       mask=pm)
                    plsc.store_scatter(cval, [pos],
                                       jnp.zeros((L,), jnp.float32), mask=pm)
                    return cv

                lax.fori_loop(0, rows, pbody, 0)

                def seg_body(k, cv):
                    pltpu.sync_copy(
                        cval.at[pl.ds(k * SEG, SEG)],
                        win_sh.at[cidx.at[pl.ds(k * SEG, SEG)]],
                        add=True)
                    return cv

                lax.fori_loop(0, rows * L // SEG, seg_body, 0)
            return carry2

        lax.fori_loop(0, N_GROUPS, group_body, 0)
        plsc.subcore_barrier()

        out_start = b * N_OUT + lo + s_axis * TILE_WIN
        pltpu.sync_copy(win_sh.at[pl.ds(s_axis * TILE_WIN, TILE_WIN)],
                        out_hbm.at[pl.ds(out_start, TILE_WIN)])
        return carry

    lax.fori_loop(0, BATCHES_PER_CORE * PASSES, pass_body, 0)


_unpool = pl.kernel(
    _unpool_body,
    out_type=jax.ShapeDtypeStruct((B * N_OUT,), jnp.float32),
    mesh=plsc.VectorSubcoreMesh(core_axis_name="c", subcore_axis_name="s",
                                num_cores=NC, num_subcores=NS),
    compiler_params=pltpu.CompilerParams(needs_layout_passes=False),
    scratch_types=(
        [pltpu.VMEM((CHUNK,), jnp.int32) for _ in range(NSETS)]
        + [pltpu.VMEM((CHUNK,), jnp.float32) for _ in range(NSETS)]
        + [pltpu.VMEM((ZCHUNK,), jnp.float32)]
        + [pltpu.VMEM((CCAP,), jnp.int32), pltpu.VMEM((CCAP,), jnp.float32)]
        + [pltpu.VMEM_SHARED((WIN + TRASH,), jnp.float32)]
        + [pltpu.SemaphoreType.DMA] * (2 * NSETS)
    ),
)


@jax.jit
def kernel(updates, mask):
    upd = updates.reshape(-1)
    msk = mask.reshape(-1).astype(jnp.int32)
    out = _unpool(upd, msk)
    return out.reshape(B, H2, W2, C)

# --- scband reference (transcript-rebuilt; emitter-appended) ---
"""Pipeline reference for scband-max-unpooling2-d-39290360823847 (READ-ONLY COPY).

The authoritative reference and input builder live on the scoring server;
editing this copy changes nothing except your own understanding.
"""

import jax, jax.numpy as jnp
import numpy as np

SIZE = (2, 2)
B, H, W, C = 4, 128, 128, 192


def setup_inputs(seed: int = 0) -> dict:
    key = jax.random.key(seed)
    k1, k2 = jax.random.split(key)
    H2, W2 = H * SIZE[0], W * SIZE[1]
    updates = jax.random.normal(k1, (B, H, W, C), dtype=jnp.float32)
    # mask holds flat argmax indices within each batch element, i.e. values in [0, H2*W2*C)
    mask = jax.random.randint(k2, (B, H, W, C), 0, H2 * W2 * C, dtype=jnp.int32)
    return {"updates": updates, "mask": mask}


def reference(updates, mask):
    # Faithful translation of SegNet-style MaxUnpooling2D.call:
    # decode flat per-batch indices into (y, x, f) coordinates of the upsampled
    # output of shape (B, H*size[0], W*size[1], C), then scatter_nd (add) the updates.
    b_, h_, w_, c_ = updates.shape
    H2, W2 = h_ * SIZE[0], w_ * SIZE[1]
    mask = mask.astype(jnp.int32)
    y = mask // (W2 * c_)
    x = (mask // c_) % W2
    f = mask % c_
    batch_range = jnp.arange(b_, dtype=jnp.int32).reshape(b_, 1, 1, 1)
    b_idx = jnp.ones_like(mask) * batch_range
    out = jnp.zeros((b_, H2, W2, c_), dtype=updates.dtype)
    # tf.scatter_nd accumulates duplicate indices -> use scatter-add
    out = out.at[b_idx, y, x, f].add(updates)
    return out

if __name__ == "__main__":
    import jax
    _d = setup_inputs()
    print(jax.jit(kernel)(*tuple(_d.values())))

</pallas_src>

<mosaic_0001>
#map = affine_map<(d0, d1) -> (0)>
module attributes {stable_mosaic.version = 14 : i64} {
  func.func @_unpool_body(%arg0: i32, %arg1: i32, %arg2: memref<12582912xf32, #tpu.memory_space<hbm>>, %arg3: memref<12582912xi32, #tpu.memory_space<hbm>>, %arg4: memref<50331648xf32, #tpu.memory_space<hbm>>, %arg5: memref<4096xi32, #tpu.memory_space<vmem>>, %arg6: memref<4096xi32, #tpu.memory_space<vmem>>, %arg7: memref<4096xf32, #tpu.memory_space<vmem>>, %arg8: memref<4096xf32, #tpu.memory_space<vmem>>, %arg9: memref<4096xf32, #tpu.memory_space<vmem>>, %arg10: memref<4608xi32, #tpu.memory_space<vmem>>, %arg11: memref<4608xf32, #tpu.memory_space<vmem>>, %arg12: memref<1581056xf32, #tpu.memory_space<vmem_shared>>, %arg13: memref<!tpu.dma_semaphore, #tpu.memory_space<semaphore_mem>>, %arg14: memref<!tpu.dma_semaphore, #tpu.memory_space<semaphore_mem>>, %arg15: memref<!tpu.dma_semaphore, #tpu.memory_space<semaphore_mem>>, %arg16: memref<!tpu.dma_semaphore, #tpu.memory_space<semaphore_mem>>) attributes {dimension_semantics = [#tpu.dimension_semantics<core_parallel>, #tpu.dimension_semantics<subcore_parallel>], iteration_bounds = array<i64: 2, 16>, scalar_prefetch = 0 : i64, scratch_operands = 12 : i64, tpu.core_type = #tpu.core_type<sc_vector_subcore>, window_params = [{transform_indices = #map}, {transform_indices = #map}, {transform_indices = #map}]} {
    %iota3A = tpu.iota {dimensions = array<i32: 0>} : vector<16xi32>
    %scan3A = arith.constant 0 : i32
    %scan3A_0 = arith.constant 0 : i32
    %scan3A_1 = arith.constant 256 : i32
    %scan3A_2 = arith.addi %scan3A_0, %scan3A_1 : i32
    %scan3A_3 = arith.constant 1 : i32
    scf.for %scan3A_11 = %scan3A_0 to %scan3A_2 step %scan3A_3  : i32 {
      %broadcast_in_dim3A = arith.constant 0.000000e+00 : f32
      %broadcast_in_dim3A_12 = vector.broadcast %broadcast_in_dim3A : f32 to vector<16xf32>
      %mul3A = arith.constant 16 : i32
      %mul3A_13 = arith.muli %scan3A_11, %mul3A : i32
      %swap3A = arith.index_cast %mul3A_13 : i32 to index
      %swap3A_14 = tpu.vector_load %arg9[%swap3A] {strides = array<i32>} : memref<4096xf32, #tpu.memory_space<vmem>>, vector<16xf32>,
      tpu.vector_store %arg9[%swap3A], %broadcast_in_dim3A_12 {strides = array<i32>} : memref<4096xf32, #tpu.memory_space<vmem>>, vector<16xf32>,
    }
    %scan3A_4 = arith.constant 256 : i32
    %scan3A_5 = arith.constant 0 : i32
    %scan3A_6 = arith.constant 0 : i32
    %scan3A_7 = arith.constant 16 : i32
    %scan3A_8 = arith.addi %scan3A_6, %scan3A_7 : i32
    %scan3A_9 = arith.constant 1 : i32
    scf.for %scan3A_11 = %scan3A_6 to %scan3A_8 step %scan3A_9  : i32 {
      %shift_right_arithmetic3A = arith.constant 3 : i32
      %shift_right_arithmetic3A_12 = arith.shrsi %scan3A_11, %shift_right_arithmetic3A : i32
      %and3A = arith.constant 7 : i32
      %and3A_13 = arith.andi %scan3A_11, %and3A : i32
      %mul3A = arith.constant 2 : i32
      %mul3A_14 = arith.muli %shift_right_arithmetic3A_12, %mul3A : i32
      %add3A = arith.addi %mul3A_14, %arg0 : i32
      %mul3A_15 = arith.constant 1572864 : i32
      %mul3A_16 = arith.muli %and3A_13, %mul3A_15 : i32
      %mul3A_17 = arith.constant 3145728 : i32
      %mul3A_18 = arith.muli %add3A, %mul3A_17 : i32
      %mul3A_19 = arith.constant 196608 : i32
      %mul3A_20 = arith.muli %arg1, %mul3A_19 : i32
      %add3A_21 = arith.addi %mul3A_18, %mul3A_20 : i32
      %add3A_22 = arith.constant 0 : i32
      %add3A_23 = arith.addi %add3A_21, %add3A_22 : i32
      %dma_start3A = tpu.memref_slice %arg3[%add3A_23] : memref<12582912xi32, #tpu.memory_space<hbm>> -> memref<4096xi32, #tpu.memory_space<hbm>>
      %dma_start3A_24 = tpu.memref_slice %arg3[%add3A_23] : memref<12582912xi32, #tpu.memory_space<hbm>> -> memref<4096xi32, #tpu.memory_space<hbm>>
      tpu.enqueue_dma source(%dma_start3A_24 : memref<4096xi32, #tpu.memory_space<hbm>>) target(%arg5 : memref<4096xi32, #tpu.memory_space<vmem>>) target_semaphore(%arg13 : memref<!tpu.dma_semaphore, #tpu.memory_space<semaphore_mem>>)
      %dma_start3A_25 = tpu.memref_slice %arg2[%add3A_23] : memref<12582912xf32, #tpu.memory_space<hbm>> -> memref<4096xf32, #tpu.memory_space<hbm>>
      %dma_start3A_26 = tpu.memref_slice %arg2[%add3A_23] : memref<12582912xf32, #tpu.memory_space<hbm>> -> memref<4096xf32, #tpu.memory_space<hbm>>
      tpu.enqueue_dma source(%dma_start3A_26 : memref<4096xf32, #tpu.memory_space<hbm>>) target(%arg7 : memref<4096xf32, #tpu.memory_space<vmem>>) target_semaphore(%arg15 : memref<!tpu.dma_semaphore, #tpu.memory_space<semaphore_mem>>)
      %scan3A_27 = arith.constant 0 : i32
      %scan3A_28 = arith.constant 0 : i32
      %scan3A_29 = arith.constant 24 : i32
      %scan3A_30 = arith.addi %scan3A_28, %scan3A_29 : i32
      %scan3A_31 = arith.constant 1 : i32
      scf.for %scan3A_48 = %scan3A_28 to %scan3A_30 step %scan3A_31  : i32 {
        %mul3A_49 = arith.constant 98304 : i32
        %mul3A_50 = arith.muli %arg1, %mul3A_49 : i32
        %mul3A_51 = arith.constant 4096 : i32
        %mul3A_52 = arith.muli %scan3A_48, %mul3A_51 : i32
        %add3A_53 = arith.addi %mul3A_50, %mul3A_52 : i32
        "tpu.region"() ({
          %run_scoped3A = tpu.sem_alloc : memref<!tpu.dma_semaphore, #tpu.memory_space<semaphore_mem>>
          %dma_start3A_54 = tpu.memref_slice %arg12[%add3A_53] : memref<1581056xf32, #tpu.memory_space<vmem_shared>> -> memref<4096xf32, #tpu.memory_space<vmem_shared>>
          %dma_start3A_55 = tpu.memref_slice %arg12[%add3A_53] : memref<1581056xf32, #tpu.memory_space<vmem_shared>> -> memref<4096xf32, #tpu.memory_space<vmem_shared>>
          tpu.enqueue_dma source(%arg9 : memref<4096xf32, #tpu.memory_space<vmem>>) target(%dma_start3A_55 : memref<4096xf32, #tpu.memory_space<vmem_shared>>) target_semaphore(%run_scoped3A : memref<!tpu.dma_semaphore, #tpu.memory_space<semaphore_mem>>)
          %dma_wait3A = tpu.memref_slice %arg12[%add3A_53] : memref<1581056xf32, #tpu.memory_space<vmem_shared>> -> memref<4096xf32, #tpu.memory_space<vmem_shared>>
          %dma_wait3A_56 = tpu.memref_slice %arg12[%add3A_53] : memref<1581056xf32, #tpu.memory_space<vmem_shared>> -> memref<4096xf32, #tpu.memory_space<vmem_shared>>
          tpu.wait_dma2 semaphore(%run_scoped3A : memref<!tpu.dma_semaphore, #tpu.memory_space<semaphore_mem>>) src(%arg9 : memref<4096xf32, #tpu.memory_space<vmem>>) dst(%dma_wait3A_56 : memref<4096xf32, #tpu.memory_space<vmem_shared>>)
          tpu.yield
        }) : () -> ()
      }
      %scan3A_32 = arith.constant 24 : i32
      %barrier3A = arith.constant 0 : index
      tpu.barrier barrier_id(%barrier3A)
      %scan3A_33 = arith.constant 0 : i32
      %scan3A_34 = arith.constant 0 : i32
      %scan3A_35 = arith.constant 24 : i32
      %scan3A_36 = arith.addi %scan3A_34, %scan3A_35 : i32
      %scan3A_37 = arith.constant 1 : i32
      scf.for %scan3A_48 = %scan3A_34 to %scan3A_36 step %scan3A_37  : i32 {
        %mul3A_49 = arith.constant 2 : i32
        %mul3A_50 = arith.muli %scan3A_48, %mul3A_49 : i32
        %add3A_51 = arith.constant 0 : i32
        %add3A_52 = arith.addi %mul3A_50, %add3A_51 : i32
        %mul3A_53 = arith.constant 4096 : i32
        %mul3A_54 = arith.muli %add3A_52, %mul3A_53 : i32
        %add3A_55 = arith.addi %add3A_21, %mul3A_54 : i32
        %dma_wait3A = tpu.memref_slice %arg3[%add3A_55] : memref<12582912xi32, #tpu.memory_space<hbm>> -> memref<4096xi32, #tpu.memory_space<hbm>>
        %dma_wait3A_56 = tpu.memref_slice %arg3[%add3A_55] : memref<12582912xi32, #tpu.memory_space<hbm>> -> memref<4096xi32, #tpu.memory_space<hbm>>
        tpu.wait_dma2 semaphore(%arg13 : memref<!tpu.dma_semaphore, #tpu.memory_space<semaphore_mem>>) src(%dma_wait3A_56 : memref<4096xi32, #tpu.memory_space<hbm>>) dst(%arg5 : memref<4096xi32, #tpu.memory_space<vmem>>)
        %dma_wait3A_57 = tpu.memref_slice %arg2[%add3A_55] : memref<12582912xf32, #tpu.memory_space<hbm>> -> memref<4096xf32, #tpu.memory_space<hbm>>
        %dma_wait3A_58 = tpu.memref_slice %arg2[%add3A_55] : memref<12582912xf32, #tpu.memory_space<hbm>> -> memref<4096xf32, #tpu.memory_space<hbm>>
        tpu.wait_dma2 semaphore(%arg15 : memref<!tpu.dma_semaphore, #tpu.memory_space<semaphore_mem>>) src(%dma_wait3A_58 : memref<4096xf32, #tpu.memory_space<hbm>>) dst(%arg7 : memref<4096xf32, #tpu.memory_space<vmem>>)
        %le3A = arith.constant 46 : i32
        %le3A_59 = arith.cmpi sle, %add3A_52, %le3A : i32
        %convert_element_type3A = arith.extui %le3A_59 : i1 to i32
        %cond3A = arith.constant 0 : i32
        %cond3A_60 = arith.cmpi ne, %convert_element_type3A, %cond3A : i32
        scf.if %cond3A_60 {
          %add3A_246 = arith.constant 1 : i32
          %add3A_247 = arith.addi %add3A_52, %add3A_246 : i32
          %mul3A_248 = arith.constant 4096 : i32
          %mul3A_249 = arith.muli %add3A_247, %mul3A_248 : i32
          %add3A_250 = arith.addi %add3A_21, %mul3A_249 : i32
          %dma_start3A_251 = tpu.memref_slice %arg3[%add3A_250] : memref<12582912xi32, #tpu.memory_space<hbm>> -> memref<4096xi32, #tpu.memory_space<hbm>>
          %dma_start3A_252 = tpu.memref_slice %arg3[%add3A_250] : memref<12582912xi32, #tpu.memory_space<hbm>> -> memref<4096xi32, #tpu.memory_space<hbm>>
          tpu.enqueue_dma source(%dma_start3A_252 : memref<4096xi32, #tpu.memory_space<hbm>>) target(%arg6 : memref<4096xi32, #tpu.memory_space<vmem>>) target_semaphore(%arg14 : memref<!tpu.dma_semaphore, #tpu.memory_space<semaphore_mem>>)
          %dma_start3A_253 = tpu.memref_slice %arg2[%add3A_250] : memref<12582912xf32, #tpu.memory_space<hbm>> -> memref<4096xf32, #tpu.memory_space<hbm>>
          %dma_start3A_254 = tpu.memref_slice %arg2[%add3A_250] : memref<12582912xf32, #tpu.memory_space<hbm>> -> memref<4096xf32, #tpu.memory_space<hbm>>
          tpu.enqueue_dma source(%dma_start3A_254 : memref<4096xf32, #tpu.memory_space<hbm>>) target(%arg8 : memref<4096xf32, #tpu.memory_space<vmem>>) target_semaphore(%arg16 : memref<!tpu.dma_semaphore, #tpu.memory_space<semaphore_mem>>)
        } else {
        }
        %broadcast_in_dim3A = arith.constant 0 : i32
        %broadcast_in_dim3A_61 = vector.broadcast %broadcast_in_dim3A : i32 to vector<16xi32>
        %parallel_loop3A = arith.constant 0 : i32
        %parallel_loop3A_62 = arith.constant 4096 : i32
        %parallel_loop3A_63 = arith.constant 16 : i32
        %parallel_loop3A_64 = scf.for %parallel_loop3A_246 = %parallel_loop3A to %parallel_loop3A_62 step %parallel_loop3A_63 iter_args(%parallel_loop3A_247 = %broadcast_in_dim3A_61) -> (vector<16xi32>)  : i32 {
          %parallel_loop3A_248 = arith.index_cast %parallel_loop3A_246 : i32 to index
          %parallel_loop3A_249 = tpu.vector_load %arg5[%parallel_loop3A_248] {strides = array<i32>} : memref<4096xi32, #tpu.memory_space<vmem>>, vector<16xi32>,
          %parallel_loop3A_250 = vector.broadcast %mul3A_16 : i32 to vector<16xi32>
          %parallel_loop3A_251 = arith.subi %parallel_loop3A_249, %parallel_loop3A_250 : vector<16xi32>
          %parallel_loop3A_252 = vector.bitcast %parallel_loop3A_251 : vector<16xi32> to vector<16xi32>
          %parallel_loop3A_253 = arith.constant 1572864 : i32
          %parallel_loop3A_254 = vector.broadcast %parallel_loop3A_253 : i32 to vector<16xi32>
          %parallel_loop3A_255 = arith.cmpi ult, %parallel_loop3A_252, %parallel_loop3A_254 : vector<16xi32>
          %parallel_loop3A_256 = arith.index_cast %parallel_loop3A_246 : i32 to index
          %parallel_loop3A_257 = tpu.vector_load %arg7[%parallel_loop3A_256] {strides = array<i32>} : memref<4096xf32, #tpu.memory_space<vmem>>, vector<16xf32>,
          %parallel_loop3A_258 = arith.constant 16 : i32
          %parallel_loop3A_259 = vector.broadcast %parallel_loop3A_258 : i32 to vector<16xi32>
          %parallel_loop3A_260 = arith.muli %parallel_loop3A_247, %parallel_loop3A_259 : vector<16xi32>
          %parallel_loop3A_261 = arith.addi %parallel_loop3A_260, %iota3A : vector<16xi32>
          tpu.vector_store_idx %arg10[%parallel_loop3A_261], %parallel_loop3A_251 masked %parallel_loop3A_255 : memref<4608xi32, #tpu.memory_space<vmem>>[vector<16xi32>], vector<16xi32>, vector<16xi1>
          tpu.vector_store_idx %arg11[%parallel_loop3A_261], %parallel_loop3A_257 masked %parallel_loop3A_255 : memref<4608xf32, #tpu.memory_space<vmem>>[vector<16xi32>], vector<16xf32>, vector<16xi1>
          %parallel_loop3A_262 = arith.extui %parallel_loop3A_255 : vector<16xi1> to vector<16xi32>
          %parallel_loop3A_263 = arith.addi %parallel_loop3A_247, %parallel_loop3A_262 : vector<16xi32>
          scf.yield %parallel_loop3A_263 : vector<16xi32>
        } {sc.loop_unroll_factor = 4 : i64, sc.parallel_access}
        %broadcast_in_dim3A_65 = arith.constant true
        %broadcast_in_dim3A_66 = vector.broadcast %broadcast_in_dim3A_65 : i1 to vector<16xi1>
        %masked_cummax3A = arith.constant -2147483648 : i32
        %masked_cummax3A_67 = vector.broadcast %masked_cummax3A : i32 to vector<16xi32>
        %masked_cummax3A_68 = arith.xori %parallel_loop3A_64, %masked_cummax3A_67 : vector<16xi32>
        %masked_cummax3A_69 = tpu.scan <max>, %masked_cummax3A_68 masked %broadcast_in_dim3A_66 : vector<16xi32>, vector<16xi1> -> vector<16xi32>
        %masked_cummax3A_70 = arith.xori %masked_cummax3A_69, %masked_cummax3A_67 : vector<16xi32>
        %slice3A = vector.extract_strided_slice %masked_cummax3A_70 {offsets = [15], sizes = [1], strides = [1]} : vector<16xi32> to vector<1xi32>
        %squeeze3A = vector.extract %slice3A[0] : i32 from vector<1xi32>
        %add3A_71 = arith.constant 32 : i32
        %add3A_72 = arith.addi %squeeze3A, %add3A_71 : i32
        %sub3A = arith.constant 1 : i32
        %sub3A_73 = arith.subi %add3A_72, %sub3A : i32
        %jit3A = arith.constant 32 : i32
        %div3A = arith.divsi %sub3A_73, %jit3A : i32
        %sign3A = arith.constant 0 : i32
        %sign3A_74 = arith.cmpi sgt, %sub3A_73, %sign3A : i32
        %sign3A_75 = arith.extui %sign3A_74 : i1 to i32
        %sign3A_76 = arith.constant 0 : i32
        %sign3A_77 = arith.cmpi slt, %sub3A_73, %sign3A_76 : i32
        %sign3A_78 = arith.extui %sign3A_77 : i1 to i32
        %sign3A_79 = arith.subi %sign3A_75, %sign3A_78 : i32
        %sign3A_80 = arith.constant 0 : i32
        %sign3A_81 = arith.cmpi sgt, %jit3A, %sign3A_80 : i32
        %sign3A_82 = arith.extui %sign3A_81 : i1 to i32
        %sign3A_83 = arith.constant 0 : i32
        %sign3A_84 = arith.cmpi slt, %jit3A, %sign3A_83 : i32
        %sign3A_85 = arith.extui %sign3A_84 : i1 to i32
        %sign3A_86 = arith.subi %sign3A_82, %sign3A_85 : i32
        %ne3A = arith.cmpi ne, %sign3A_79, %sign3A_86 : i32
        %rem3A = arith.remsi %sub3A_73, %jit3A : i32
        %ne3A_87 = arith.constant 0 : i32
        %ne3A_88 = arith.cmpi ne, %rem3A, %ne3A_87 : i32
        %and3A_89 = arith.andi %ne3A, %ne3A_88 : i1
        %sub3A_90 = arith.constant 1 : i32
        %sub3A_91 = arith.subi %div3A, %sub3A_90 : i32
        %select_n3A = arith.select %and3A_89, %sub3A_91, %div3A : i32
        %mul3A_92 = arith.constant 32 : i32
        %mul3A_93 = arith.muli %select_n3A, %mul3A_92 : i32
        %while3A = arith.constant 0 : i32
        %while3A_94 = arith.constant 0 : i32
        %while3A_95 = arith.subi %mul3A_93, %while3A_94 : i32
        %while3A_96 = arith.addi %while3A_94, %while3A_95 : i32
        %while3A_97 = arith.constant 1 : i32
        %while3A_98 = arith.divsi %while3A_95, %while3A_97 : i32
        %while3A_99 = arith.muli %while3A_98, %while3A_97 : i32
        %while3A_100 = arith.addi %while3A_94, %while3A_99 : i32
        %while3A_101 = arith.constant 1 : i32
        scf.for %while3A_246 = %while3A_94 to %while3A_100 step %while3A_101  : i32 {
          %le3A_247 = vector.broadcast %while3A_246 : i32 to vector<16xi32>
          %le3A_248 = arith.cmpi sle, %parallel_loop3A_64, %le3A_247 : vector<16xi32>
          %mul3A_249 = arith.constant 16 : i32
          %mul3A_250 = arith.muli %while3A_246, %mul3A_249 : i32
          %add3A_251 = vector.broadcast %mul3A_250 : i32 to vector<16xi32>
          %add3A_252 = arith.addi %add3A_251, %iota3A : vector<16xi32>
          %mul3A_253 = arith.constant 1024 : i32
          %mul3A_254 = vector.broadcast %mul3A_253 : i32 to vector<16xi32>
          %mul3A_255 = arith.muli %iota3A, %mul3A_254 : vector<16xi32>
          %and3A_256 = arith.constant 1023 : i32
          %and3A_257 = arith.andi %while3A_246, %and3A_256 : i32
          %add3A_258 = vector.broadcast %and3A_257 : i32 to vector<16xi32>
          %add3A_259 = arith.addi %mul3A_255, %add3A_258 : vector<16xi32>
          tpu.vector_store_idx %arg10[%add3A_252], %add3A_259 masked %le3A_248 : memref<4608xi32, #tpu.memory_space<vmem>>[vector<16xi32>], vector<16xi32>, vector<16xi1>
          %broadcast_in_dim3A_260 = arith.constant 0.000000e+00 : f32
          %broadcast_in_dim3A_261 = vector.broadcast %broadcast_in_dim3A_260 : f32 to vector<16xf32>
          tpu.vector_store_idx %arg11[%add3A_252], %broadcast_in_dim3A_261 masked %le3A_248 : memref<4608xf32, #tpu.memory_space<vmem>>[vector<16xi32>], vector<16xf32>, vector<16xi1>
        }
        %while3A_102 = arith.constant 1 : i32
        scf.for %while3A_246 = %while3A_100 to %while3A_96 step %while3A_102  : i32 {
          %le3A_247 = vector.broadcast %while3A_246 : i32 to vector<16xi32>
          %le3A_248 = arith.cmpi sle, %parallel_loop3A_64, %le3A_247 : vector<16xi32>
          %mul3A_249 = arith.constant 16 : i32
          %mul3A_250 = arith.muli %while3A_246, %mul3A_249 : i32
          %add3A_251 = vector.broadcast %mul3A_250 : i32 to vector<16xi32>
          %add3A_252 = arith.addi %add3A_251, %iota3A : vector<16xi32>
          %mul3A_253 = arith.constant 1024 : i32
          %mul3A_254 = vector.broadcast %mul3A_253 : i32 to vector<16xi32>
          %mul3A_255 = arith.muli %iota3A, %mul3A_254 : vector<16xi32>
          %and3A_256 = arith.constant 1023 : i32
          %and3A_257 = arith.andi %while3A_246, %and3A_256 : i32
          %add3A_258 = vector.broadcast %and3A_257 : i32 to vector<16xi32>
          %add3A_259 = arith.addi %mul3A_255, %add3A_258 : vector<16xi32>
          tpu.vector_store_idx %arg10[%add3A_252], %add3A_259 masked %le3A_248 : memref<4608xi32, #tpu.memory_space<vmem>>[vector<16xi32>], vector<16xi32>, vector<16xi1>
          %broadcast_in_dim3A_260 = arith.constant 0.000000e+00 : f32
          %broadcast_in_dim3A_261 = vector.broadcast %broadcast_in_dim3A_260 : f32 to vector<16xf32>
          tpu.vector_store_idx %arg11[%add3A_252], %broadcast_in_dim3A_261 masked %le3A_248 : memref<4608xf32, #tpu.memory_space<vmem>>[vector<16xi32>], vector<16xf32>, vector<16xi1>
        }
        %mul3A_103 = arith.constant 16 : i32
        %mul3A_104 = arith.muli %mul3A_93, %mul3A_103 : i32
        %jit3A_105 = arith.constant 512 : i32
        %div3A_106 = arith.divsi %mul3A_104, %jit3A_105 : i32
        %sign3A_107 = arith.constant 0 : i32
        %sign3A_108 = arith.cmpi sgt, %mul3A_104, %sign3A_107 : i32
        %sign3A_109 = arith.extui %sign3A_108 : i1 to i32
        %sign3A_110 = arith.constant 0 : i32
        %sign3A_111 = arith.cmpi slt, %mul3A_104, %sign3A_110 : i32
        %sign3A_112 = arith.extui %sign3A_111 : i1 to i32
        %sign3A_113 = arith.subi %sign3A_109, %sign3A_112 : i32
        %sign3A_114 = arith.constant 0 : i32
        %sign3A_115 = arith.cmpi sgt, %jit3A_105, %sign3A_114 : i32
        %sign3A_116 = arith.extui %sign3A_115 : i1 to i32
        %sign3A_117 = arith.constant 0 : i32
        %sign3A_118 = arith.cmpi slt, %jit3A_105, %sign3A_117 : i32
        %sign3A_119 = arith.extui %sign3A_118 : i1 to i32
        %sign3A_120 = arith.subi %sign3A_116, %sign3A_119 : i32
        %ne3A_121 = arith.cmpi ne, %sign3A_113, %sign3A_120 : i32
        %rem3A_122 = arith.remsi %mul3A_104, %jit3A_105 : i32
        %ne3A_123 = arith.constant 0 : i32
        %ne3A_124 = arith.cmpi ne, %rem3A_122, %ne3A_123 : i32
        %and3A_125 = arith.andi %ne3A_121, %ne3A_124 : i1
        %sub3A_126 = arith.constant 1 : i32
        %sub3A_127 = arith.subi %div3A_106, %sub3A_126 : i32
        %select_n3A_128 = arith.select %and3A_125, %sub3A_127, %div3A_106 : i32
        %while3A_129 = arith.constant 0 : i32
        %while3A_130 = arith.constant 0 : i32
        %while3A_131 = arith.subi %select_n3A_128, %while3A_130 : i32
        %while3A_132 = arith.addi %while3A_130, %while3A_131 : i32
        %while3A_133 = arith.constant 1 : i32
        %while3A_134 = arith.divsi %while3A_131, %while3A_133 : i32
        %while3A_135 = arith.muli %while3A_134, %while3A_133 : i32
        %while3A_136 = arith.addi %while3A_130, %while3A_135 : i32
        %while3A_137 = arith.constant 1 : i32
        scf.for %while3A_246 = %while3A_130 to %while3A_136 step %while3A_137  : i32 {
          %mul3A_247 = arith.constant 512 : i32
          %mul3A_248 = arith.muli %while3A_246, %mul3A_247 : i32
          %mul3A_249 = arith.constant 512 : i32
          %mul3A_250 = arith.muli %while3A_246, %mul3A_249 : i32
          "tpu.region"() ({
            %run_scoped3A = tpu.sem_alloc : memref<!tpu.dma_semaphore, #tpu.memory_space<semaphore_mem>>
            %dma_start3A_251 = tpu.memref_slice %arg11[%mul3A_248] : memref<4608xf32, #tpu.memory_space<vmem>> -> memref<512xf32, #tpu.memory_space<vmem>>
            %dma_start3A_252 = tpu.memref_slice %arg10[%mul3A_250] : memref<4608xi32, #tpu.memory_space<vmem>> -> memref<512xi32, #tpu.memory_space<vmem>>
            %dma_start3A_253 = arith.constant 0 : i32
            %dma_start3A_254 = tpu.memref_slice %arg12[%dma_start3A_253] : memref<1581056xf32, #tpu.memory_space<vmem_shared>> -> memref<1581056xf32, #tpu.memory_space<vmem_shared>>
            tpu.enqueue_indirect_dma source(%dma_start3A_251 : memref<512xf32, #tpu.memory_space<vmem>>) target(%dma_start3A_254 : memref<1581056xf32, #tpu.memory_space<vmem_shared>>) offsets(%dma_start3A_252 : memref<512xi32, #tpu.memory_space<vmem>>) semaphore(%run_scoped3A : memref<!tpu.dma_semaphore, #tpu.memory_space<semaphore_mem>>) {add = true}
            %dma_wait3A_255 = tpu.memref_slice %arg11[%mul3A_248] : memref<4608xf32, #tpu.memory_space<vmem>> -> memref<512xf32, #tpu.memory_space<vmem>>
            %dma_wait3A_256 = tpu.memref_slice %arg10[%mul3A_250] : memref<4608xi32, #tpu.memory_space<vmem>> -> memref<512xi32, #tpu.memory_space<vmem>>
            %dma_wait3A_257 = arith.constant 0 : i32
            %dma_wait3A_258 = tpu.memref_slice %arg12[%dma_wait3A_257] : memref<1581056xf32, #tpu.memory_space<vmem_shared>> -> memref<1581056xf32, #tpu.memory_space<vmem_shared>>
            tpu.wait_indirect_dma semaphore(%run_scoped3A : memref<!tpu.dma_semaphore, #tpu.memory_space<semaphore_mem>>) src(%dma_wait3A_255 : memref<512xf32, #tpu.memory_space<vmem>>) dst(%dma_wait3A_258 : memref<1581056xf32, #tpu.memory_space<vmem_shared>>)
            tpu.yield
          }) : () -> ()
        }
        %while3A_138 = arith.constant 1 : i32
        scf.for %while3A_246 = %while3A_136 to %while3A_132 step %while3A_138  : i32 {
          %mul3A_247 = arith.constant 512 : i32
          %mul3A_248 = arith.muli %while3A_246, %mul3A_247 : i32
          %mul3A_249 = arith.constant 512 : i32
          %mul3A_250 = arith.muli %while3A_246, %mul3A_249 : i32
          "tpu.region"() ({
            %run_scoped3A = tpu.sem_alloc : memref<!tpu.dma_semaphore, #tpu.memory_space<semaphore_mem>>
            %dma_start3A_251 = tpu.memref_slice %arg11[%mul3A_248] : memref<4608xf32, #tpu.memory_space<vmem>> -> memref<512xf32, #tpu.memory_space<vmem>>
            %dma_start3A_252 = tpu.memref_slice %arg10[%mul3A_250] : memref<4608xi32, #tpu.memory_space<vmem>> -> memref<512xi32, #tpu.memory_space<vmem>>
            %dma_start3A_253 = arith.constant 0 : i32
            %dma_start3A_254 = tpu.memref_slice %arg12[%dma_start3A_253] : memref<1581056xf32, #tpu.memory_space<vmem_shared>> -> memref<1581056xf32, #tpu.memory_space<vmem_shared>>
            tpu.enqueue_indirect_dma source(%dma_start3A_251 : memref<512xf32, #tpu.memory_space<vmem>>) target(%dma_start3A_254 : memref<1581056xf32, #tpu.memory_space<vmem_shared>>) offsets(%dma_start3A_252 : memref<512xi32, #tpu.memory_space<vmem>>) semaphore(%run_scoped3A : memref<!tpu.dma_semaphore, #tpu.memory_space<semaphore_mem>>) {add = true}
            %dma_wait3A_255 = tpu.memref_slice %arg11[%mul3A_248] : memref<4608xf32, #tpu.memory_space<vmem>> -> memref<512xf32, #tpu.memory_space<vmem>>
            %dma_wait3A_256 = tpu.memref_slice %arg10[%mul3A_250] : memref<4608xi32, #tpu.memory_space<vmem>> -> memref<512xi32, #tpu.memory_space<vmem>>
            %dma_wait3A_257 = arith.constant 0 : i32
            %dma_wait3A_258 = tpu.memref_slice %arg12[%dma_wait3A_257] : memref<1581056xf32, #tpu.memory_space<vmem_shared>> -> memref<1581056xf32, #tpu.memory_space<vmem_shared>>
            tpu.wait_indirect_dma semaphore(%run_scoped3A : memref<!tpu.dma_semaphore, #tpu.memory_space<semaphore_mem>>) src(%dma_wait3A_255 : memref<512xf32, #tpu.memory_space<vmem>>) dst(%dma_wait3A_258 : memref<1581056xf32, #tpu.memory_space<vmem_shared>>)
            tpu.yield
          }) : () -> ()
        }
        %mul3A_139 = arith.constant 2 : i32
        %mul3A_140 = arith.muli %scan3A_48, %mul3A_139 : i32
        %add3A_141 = arith.constant 1 : i32
        %add3A_142 = arith.addi %mul3A_140, %add3A_141 : i32
        %mul3A_143 = arith.constant 4096 : i32
        %mul3A_144 = arith.muli %add3A_142, %mul3A_143 : i32
        %add3A_145 = arith.addi %add3A_21, %mul3A_144 : i32
        %dma_wait3A_146 = tpu.memref_slice %arg3[%add3A_145] : memref<12582912xi32, #tpu.memory_space<hbm>> -> memref<4096xi32, #tpu.memory_space<hbm>>
        %dma_wait3A_147 = tpu.memref_slice %arg3[%add3A_145] : memref<12582912xi32, #tpu.memory_space<hbm>> -> memref<4096xi32, #tpu.memory_space<hbm>>
        tpu.wait_dma2 semaphore(%arg14 : memref<!tpu.dma_semaphore, #tpu.memory_space<semaphore_mem>>) src(%dma_wait3A_147 : memref<4096xi32, #tpu.memory_space<hbm>>) dst(%arg6 : memref<4096xi32, #tpu.memory_space<vmem>>)
        %dma_wait3A_148 = tpu.memref_slice %arg2[%add3A_145] : memref<12582912xf32, #tpu.memory_space<hbm>> -> memref<4096xf32, #tpu.memory_space<hbm>>
        %dma_wait3A_149 = tpu.memref_slice %arg2[%add3A_145] : memref<12582912xf32, #tpu.memory_space<hbm>> -> memref<4096xf32, #tpu.memory_space<hbm>>
        tpu.wait_dma2 semaphore(%arg16 : memref<!tpu.dma_semaphore, #tpu.memory_space<semaphore_mem>>) src(%dma_wait3A_149 : memref<4096xf32, #tpu.memory_space<hbm>>) dst(%arg8 : memref<4096xf32, #tpu.memory_space<vmem>>)
        %le3A_150 = arith.constant 46 : i32
        %le3A_151 = arith.cmpi sle, %add3A_142, %le3A_150 : i32
        %convert_element_type3A_152 = arith.extui %le3A_151 : i1 to i32
        %cond3A_153 = arith.constant 0 : i32
        %cond3A_154 = arith.cmpi ne, %convert_element_type3A_152, %cond3A_153 : i32
        scf.if %cond3A_154 {
          %add3A_246 = arith.constant 1 : i32
          %add3A_247 = arith.addi %add3A_142, %add3A_246 : i32
          %mul3A_248 = arith.constant 4096 : i32
          %mul3A_249 = arith.muli %add3A_247, %mul3A_248 : i32
          %add3A_250 = arith.addi %add3A_21, %mul3A_249 : i32
          %dma_start3A_251 = tpu.memref_slice %arg3[%add3A_250] : memref<12582912xi32, #tpu.memory_space<hbm>> -> memref<4096xi32, #tpu.memory_space<hbm>>
          %dma_start3A_252 = tpu.memref_slice %arg3[%add3A_250] : memref<12582912xi32, #tpu.memory_space<hbm>> -> memref<4096xi32, #tpu.memory_space<hbm>>
          tpu.enqueue_dma source(%dma_start3A_252 : memref<4096xi32, #tpu.memory_space<hbm>>) target(%arg5 : memref<4096xi32, #tpu.memory_space<vmem>>) target_semaphore(%arg13 : memref<!tpu.dma_semaphore, #tpu.memory_space<semaphore_mem>>)
          %dma_start3A_253 = tpu.memref_slice %arg2[%add3A_250] : memref<12582912xf32, #tpu.memory_space<hbm>> -> memref<4096xf32, #tpu.memory_space<hbm>>
          %dma_start3A_254 = tpu.memref_slice %arg2[%add3A_250] : memref<12582912xf32, #tpu.memory_space<hbm>> -> memref<4096xf32, #tpu.memory_space<hbm>>
          tpu.enqueue_dma source(%dma_start3A_254 : memref<4096xf32, #tpu.memory_space<hbm>>) target(%arg7 : memref<4096xf32, #tpu.memory_space<vmem>>) target_semaphore(%arg15 : memref<!tpu.dma_semaphore, #tpu.memory_space<semaphore_mem>>)
        } else {
        }
        %broadcast_in_dim3A_155 = arith.constant 0 : i32
        %broadcast_in_dim3A_156 = vector.broadcast %broadcast_in_dim3A_155 : i32 to vector<16xi32>
        %parallel_loop3A_157 = arith.constant 0 : i32
        %parallel_loop3A_158 = arith.constant 4096 : i32
        %parallel_loop3A_159 = arith.constant 16 : i32
        %parallel_loop3A_160 = scf.for %parallel_loop3A_246 = %parallel_loop3A_157 to %parallel_loop3A_158 step %parallel_loop3A_159 iter_args(%parallel_loop3A_247 = %broadcast_in_dim3A_156) -> (vector<16xi32>)  : i32 {
          %parallel_loop3A_248 = arith.index_cast %parallel_loop3A_246 : i32 to index
          %parallel_loop3A_249 = tpu.vector_load %arg6[%parallel_loop3A_248] {strides = array<i32>} : memref<4096xi32, #tpu.memory_space<vmem>>, vector<16xi32>,
          %parallel_loop3A_250 = vector.broadcast %mul3A_16 : i32 to vector<16xi32>
          %parallel_loop3A_251 = arith.subi %parallel_loop3A_249, %parallel_loop3A_250 : vector<16xi32>
          %parallel_loop3A_252 = vector.bitcast %parallel_loop3A_251 : vector<16xi32> to vector<16xi32>
          %parallel_loop3A_253 = arith.constant 1572864 : i32
          %parallel_loop3A_254 = vector.broadcast %parallel_loop3A_253 : i32 to vector<16xi32>
          %parallel_loop3A_255 = arith.cmpi ult, %parallel_loop3A_252, %parallel_loop3A_254 : vector<16xi32>
          %parallel_loop3A_256 = arith.index_cast %parallel_loop3A_246 : i32 to index
          %parallel_loop3A_257 = tpu.vector_load %arg8[%parallel_loop3A_256] {strides = array<i32>} : memref<4096xf32, #tpu.memory_space<vmem>>, vector<16xf32>,
          %parallel_loop3A_258 = arith.constant 16 : i32
          %parallel_loop3A_259 = vector.broadcast %parallel_loop3A_258 : i32 to vector<16xi32>
          %parallel_loop3A_260 = arith.muli %parallel_loop3A_247, %parallel_loop3A_259 : vector<16xi32>
          %parallel_loop3A_261 = arith.addi %parallel_loop3A_260, %iota3A : vector<16xi32>
          tpu.vector_store_idx %arg10[%parallel_loop3A_261], %parallel_loop3A_251 masked %parallel_loop3A_255 : memref<4608xi32, #tpu.memory_space<vmem>>[vector<16xi32>], vector<16xi32>, vector<16xi1>
          tpu.vector_store_idx %arg11[%parallel_loop3A_261], %parallel_loop3A_257 masked %parallel_loop3A_255 : memref<4608xf32, #tpu.memory_space<vmem>>[vector<16xi32>], vector<16xf32>, vector<16xi1>
          %parallel_loop3A_262 = arith.extui %parallel_loop3A_255 : vector<16xi1> to vector<16xi32>
          %parallel_loop3A_263 = arith.addi %parallel_loop3A_247, %parallel_loop3A_262 : vector<16xi32>
          scf.yield %parallel_loop3A_263 : vector<16xi32>
        } {sc.loop_unroll_factor = 4 : i64, sc.parallel_access}
        %broadcast_in_dim3A_161 = arith.constant true
        %broadcast_in_dim3A_162 = vector.broadcast %broadcast_in_dim3A_161 : i1 to vector<16xi1>
        %masked_cummax3A_163 = arith.constant -2147483648 : i32
        %masked_cummax3A_164 = vector.broadcast %masked_cummax3A_163 : i32 to vector<16xi32>
        %masked_cummax3A_165 = arith.xori %parallel_loop3A_160, %masked_cummax3A_164 : vector<16xi32>
        %masked_cummax3A_166 = tpu.scan <max>, %masked_cummax3A_165 masked %broadcast_in_dim3A_162 : vector<16xi32>, vector<16xi1> -> vector<16xi32>
        %masked_cummax3A_167 = arith.xori %masked_cummax3A_166, %masked_cummax3A_164 : vector<16xi32>
        %slice3A_168 = vector.extract_strided_slice %masked_cummax3A_167 {offsets = [15], sizes = [1], strides = [1]} : vector<16xi32> to vector<1xi32>
        %squeeze3A_169 = vector.extract %slice3A_168[0] : i32 from vector<1xi32>
        %add3A_170 = arith.constant 32 : i32
        %add3A_171 = arith.addi %squeeze3A_169, %add3A_170 : i32
        %sub3A_172 = arith.constant 1 : i32
        %sub3A_173 = arith.subi %add3A_171, %sub3A_172 : i32
        %jit3A_174 = arith.constant 32 : i32
        %div3A_175 = arith.divsi %sub3A_173, %jit3A_174 : i32
        %sign3A_176 = arith.constant 0 : i32
        %sign3A_177 = arith.cmpi sgt, %sub3A_173, %sign3A_176 : i32
        %sign3A_178 = arith.extui %sign3A_177 : i1 to i32
        %sign3A_179 = arith.constant 0 : i32
        %sign3A_180 = arith.cmpi slt, %sub3A_173, %sign3A_179 : i32
        %sign3A_181 = arith.extui %sign3A_180 : i1 to i32
        %sign3A_182 = arith.subi %sign3A_178, %sign3A_181 : i32
        %sign3A_183 = arith.constant 0 : i32
        %sign3A_184 = arith.cmpi sgt, %jit3A_174, %sign3A_183 : i32
        %sign3A_185 = arith.extui %sign3A_184 : i1 to i32
        %sign3A_186 = arith.constant 0 : i32
        %sign3A_187 = arith.cmpi slt, %jit3A_174, %sign3A_186 : i32
        %sign3A_188 = arith.extui %sign3A_187 : i1 to i32
        %sign3A_189 = arith.subi %sign3A_185, %sign3A_188 : i32
        %ne3A_190 = arith.cmpi ne, %sign3A_182, %sign3A_189 : i32
        %rem3A_191 = arith.remsi %sub3A_173, %jit3A_174 : i32
        %ne3A_192 = arith.constant 0 : i32
        %ne3A_193 = arith.cmpi ne, %rem3A_191, %ne3A_192 : i32
        %and3A_194 = arith.andi %ne3A_190, %ne3A_193 : i1
        %sub3A_195 = arith.constant 1 : i32
        %sub3A_196 = arith.subi %div3A_175, %sub3A_195 : i32
        %select_n3A_197 = arith.select %and3A_194, %sub3A_196, %div3A_175 : i32
        %mul3A_198 = arith.constant 32 : i32
        %mul3A_199 = arith.muli %select_n3A_197, %mul3A_198 : i32
        %while3A_200 = arith.constant 0 : i32
        %while3A_201 = arith.constant 0 : i32
        %while3A_202 = arith.subi %mul3A_199, %while3A_201 : i32
        %while3A_203 = arith.addi %while3A_201, %while3A_202 : i32
        %while3A_204 = arith.constant 1 : i32
        %while3A_205 = arith.divsi %while3A_202, %while3A_204 : i32
        %while3A_206 = arith.muli %while3A_205, %while3A_204 : i32
        %while3A_207 = arith.addi %while3A_201, %while3A_206 : i32
        %while3A_208 = arith.constant 1 : i32
        scf.for %while3A_246 = %while3A_201 to %while3A_207 step %while3A_208  : i32 {
          %le3A_247 = vector.broadcast %while3A_246 : i32 to vector<16xi32>
          %le3A_248 = arith.cmpi sle, %parallel_loop3A_160, %le3A_247 : vector<16xi32>
          %mul3A_249 = arith.constant 16 : i32
          %mul3A_250 = arith.muli %while3A_246, %mul3A_249 : i32
          %add3A_251 = vector.broadcast %mul3A_250 : i32 to vector<16xi32>
          %add3A_252 = arith.addi %add3A_251, %iota3A : vector<16xi32>
          %mul3A_253 = arith.constant 1024 : i32
          %mul3A_254 = vector.broadcast %mul3A_253 : i32 to vector<16xi32>
          %mul3A_255 = arith.muli %iota3A, %mul3A_254 : vector<16xi32>
          %and3A_256 = arith.constant 1023 : i32
          %and3A_257 = arith.andi %while3A_246, %and3A_256 : i32
          %add3A_258 = vector.broadcast %and3A_257 : i32 to vector<16xi32>
          %add3A_259 = arith.addi %mul3A_255, %add3A_258 : vector<16xi32>
          tpu.vector_store_idx %arg10[%add3A_252], %add3A_259 masked %le3A_248 : memref<4608xi32, #tpu.memory_space<vmem>>[vector<16xi32>], vector<16xi32>, vector<16xi1>
          %broadcast_in_dim3A_260 = arith.constant 0.000000e+00 : f32
          %broadcast_in_dim3A_261 = vector.broadcast %broadcast_in_dim3A_260 : f32 to vector<16xf32>
          tpu.vector_store_idx %arg11[%add3A_252], %broadcast_in_dim3A_261 masked %le3A_248 : memref<4608xf32, #tpu.memory_space<vmem>>[vector<16xi32>], vector<16xf32>, vector<16xi1>
        }
        %while3A_209 = arith.constant 1 : i32
        scf.for %while3A_246 = %while3A_207 to %while3A_203 step %while3A_209  : i32 {
          %le3A_247 = vector.broadcast %while3A_246 : i32 to vector<16xi32>
          %le3A_248 = arith.cmpi sle, %parallel_loop3A_160, %le3A_247 : vector<16xi32>
          %mul3A_249 = arith.constant 16 : i32
          %mul3A_250 = arith.muli %while3A_246, %mul3A_249 : i32
          %add3A_251 = vector.broadcast %mul3A_250 : i32 to vector<16xi32>
          %add3A_252 = arith.addi %add3A_251, %iota3A : vector<16xi32>
          %mul3A_253 = arith.constant 1024 : i32
          %mul3A_254 = vector.broadcast %mul3A_253 : i32 to vector<16xi32>
          %mul3A_255 = arith.muli %iota3A, %mul3A_254 : vector<16xi32>
          %and3A_256 = arith.constant 1023 : i32
          %and3A_257 = arith.andi %while3A_246, %and3A_256 : i32
          %add3A_258 = vector.broadcast %and3A_257 : i32 to vector<16xi32>
          %add3A_259 = arith.addi %mul3A_255, %add3A_258 : vector<16xi32>
          tpu.vector_store_idx %arg10[%add3A_252], %add3A_259 masked %le3A_248 : memref<4608xi32, #tpu.memory_space<vmem>>[vector<16xi32>], vector<16xi32>, vector<16xi1>
          %broadcast_in_dim3A_260 = arith.constant 0.000000e+00 : f32
          %broadcast_in_dim3A_261 = vector.broadcast %broadcast_in_dim3A_260 : f32 to vector<16xf32>
          tpu.vector_store_idx %arg11[%add3A_252], %broadcast_in_dim3A_261 masked %le3A_248 : memref<4608xf32, #tpu.memory_space<vmem>>[vector<16xi32>], vector<16xf32>, vector<16xi1>
        }
        %mul3A_210 = arith.constant 16 : i32
        %mul3A_211 = arith.muli %mul3A_199, %mul3A_210 : i32
        %jit3A_212 = arith.constant 512 : i32
        %div3A_213 = arith.divsi %mul3A_211, %jit3A_212 : i32
        %sign3A_214 = arith.constant 0 : i32
        %sign3A_215 = arith.cmpi sgt, %mul3A_211, %sign3A_214 : i32
        %sign3A_216 = arith.extui %sign3A_215 : i1 to i32
        %sign3A_217 = arith.constant 0 : i32
        %sign3A_218 = arith.cmpi slt, %mul3A_211, %sign3A_217 : i32
        %sign3A_219 = arith.extui %sign3A_218 : i1 to i32
        %sign3A_220 = arith.subi %sign3A_216, %sign3A_219 : i32
        %sign3A_221 = arith.constant 0 : i32
        %sign3A_222 = arith.cmpi sgt, %jit3A_212, %sign3A_221 : i32
        %sign3A_223 = arith.extui %sign3A_222 : i1 to i32
        %sign3A_224 = arith.constant 0 : i32
        %sign3A_225 = arith.cmpi slt, %jit3A_212, %sign3A_224 : i32
        %sign3A_226 = arith.extui %sign3A_225 : i1 to i32
        %sign3A_227 = arith.subi %sign3A_223, %sign3A_226 : i32
        %ne3A_228 = arith.cmpi ne, %sign3A_220, %sign3A_227 : i32
        %rem3A_229 = arith.remsi %mul3A_211, %jit3A_212 : i32
        %ne3A_230 = arith.constant 0 : i32
        %ne3A_231 = arith.cmpi ne, %rem3A_229, %ne3A_230 : i32
        %and3A_232 = arith.andi %ne3A_228, %ne3A_231 : i1
        %sub3A_233 = arith.constant 1 : i32
        %sub3A_234 = arith.subi %div3A_213, %sub3A_233 : i32
        %select_n3A_235 = arith.select %and3A_232, %sub3A_234, %div3A_213 : i32
        %while3A_236 = arith.constant 0 : i32
        %while3A_237 = arith.constant 0 : i32
        %while3A_238 = arith.subi %select_n3A_235, %while3A_237 : i32
        %while3A_239 = arith.addi %while3A_237, %while3A_238 : i32
        %while3A_240 = arith.constant 1 : i32
        %while3A_241 = arith.divsi %while3A_238, %while3A_240 : i32
        %while3A_242 = arith.muli %while3A_241, %while3A_240 : i32
        %while3A_243 = arith.addi %while3A_237, %while3A_242 : i32
        %while3A_244 = arith.constant 1 : i32
        scf.for %while3A_246 = %while3A_237 to %while3A_243 step %while3A_244  : i32 {
          %mul3A_247 = arith.constant 512 : i32
          %mul3A_248 = arith.muli %while3A_246, %mul3A_247 : i32
          %mul3A_249 = arith.constant 512 : i32
          %mul3A_250 = arith.muli %while3A_246, %mul3A_249 : i32
          "tpu.region"() ({
            %run_scoped3A = tpu.sem_alloc : memref<!tpu.dma_semaphore, #tpu.memory_space<semaphore_mem>>
            %dma_start3A_251 = tpu.memref_slice %arg11[%mul3A_248] : memref<4608xf32, #tpu.memory_space<vmem>> -> memref<512xf32, #tpu.memory_space<vmem>>
            %dma_start3A_252 = tpu.memref_slice %arg10[%mul3A_250] : memref<4608xi32, #tpu.memory_space<vmem>> -> memref<512xi32, #tpu.memory_space<vmem>>
            %dma_start3A_253 = arith.constant 0 : i32
            %dma_start3A_254 = tpu.memref_slice %arg12[%dma_start3A_253] : memref<1581056xf32, #tpu.memory_space<vmem_shared>> -> memref<1581056xf32, #tpu.memory_space<vmem_shared>>
            tpu.enqueue_indirect_dma source(%dma_start3A_251 : memref<512xf32, #tpu.memory_space<vmem>>) target(%dma_start3A_254 : memref<1581056xf32, #tpu.memory_space<vmem_shared>>) offsets(%dma_start3A_252 : memref<512xi32, #tpu.memory_space<vmem>>) semaphore(%run_scoped3A : memref<!tpu.dma_semaphore, #tpu.memory_space<semaphore_mem>>) {add = true}
            %dma_wait3A_255 = tpu.memref_slice %arg11[%mul3A_248] : memref<4608xf32, #tpu.memory_space<vmem>> -> memref<512xf32, #tpu.memory_space<vmem>>
            %dma_wait3A_256 = tpu.memref_slice %arg10[%mul3A_250] : memref<4608xi32, #tpu.memory_space<vmem>> -> memref<512xi32, #tpu.memory_space<vmem>>
            %dma_wait3A_257 = arith.constant 0 : i32
            %dma_wait3A_258 = tpu.memref_slice %arg12[%dma_wait3A_257] : memref<1581056xf32, #tpu.memory_space<vmem_shared>> -> memref<1581056xf32, #tpu.memory_space<vmem_shared>>
            tpu.wait_indirect_dma semaphore(%run_scoped3A : memref<!tpu.dma_semaphore, #tpu.memory_space<semaphore_mem>>) src(%dma_wait3A_255 : memref<512xf32, #tpu.memory_space<vmem>>) dst(%dma_wait3A_258 : memref<1581056xf32, #tpu.memory_space<vmem_shared>>)
            tpu.yield
          }) : () -> ()
        }
        %while3A_245 = arith.constant 1 : i32
        scf.for %while3A_246 = %while3A_243 to %while3A_239 step %while3A_245  : i32 {
          %mul3A_247 = arith.constant 512 : i32
          %mul3A_248 = arith.muli %while3A_246, %mul3A_247 : i32
          %mul3A_249 = arith.constant 512 : i32
          %mul3A_250 = arith.muli %while3A_246, %mul3A_249 : i32
          "tpu.region"() ({
            %run_scoped3A = tpu.sem_alloc : memref<!tpu.dma_semaphore, #tpu.memory_space<semaphore_mem>>
            %dma_start3A_251 = tpu.memref_slice %arg11[%mul3A_248] : memref<4608xf32, #tpu.memory_space<vmem>> -> memref<512xf32, #tpu.memory_space<vmem>>
            %dma_start3A_252 = tpu.memref_slice %arg10[%mul3A_250] : memref<4608xi32, #tpu.memory_space<vmem>> -> memref<512xi32, #tpu.memory_space<vmem>>
            %dma_start3A_253 = arith.constant 0 : i32
            %dma_start3A_254 = tpu.memref_slice %arg12[%dma_start3A_253] : memref<1581056xf32, #tpu.memory_space<vmem_shared>> -> memref<1581056xf32, #tpu.memory_space<vmem_shared>>
            tpu.enqueue_indirect_dma source(%dma_start3A_251 : memref<512xf32, #tpu.memory_space<vmem>>) target(%dma_start3A_254 : memref<1581056xf32, #tpu.memory_space<vmem_shared>>) offsets(%dma_start3A_252 : memref<512xi32, #tpu.memory_space<vmem>>) semaphore(%run_scoped3A : memref<!tpu.dma_semaphore, #tpu.memory_space<semaphore_mem>>) {add = true}
            %dma_wait3A_255 = tpu.memref_slice %arg11[%mul3A_248] : memref<4608xf32, #tpu.memory_space<vmem>> -> memref<512xf32, #tpu.memory_space<vmem>>
            %dma_wait3A_256 = tpu.memref_slice %arg10[%mul3A_250] : memref<4608xi32, #tpu.memory_space<vmem>> -> memref<512xi32, #tpu.memory_space<vmem>>
            %dma_wait3A_257 = arith.constant 0 : i32
            %dma_wait3A_258 = tpu.memref_slice %arg12[%dma_wait3A_257] : memref<1581056xf32, #tpu.memory_space<vmem_shared>> -> memref<1581056xf32, #tpu.memory_space<vmem_shared>>
            tpu.wait_indirect_dma semaphore(%run_scoped3A : memref<!tpu.dma_semaphore, #tpu.memory_space<semaphore_mem>>) src(%dma_wait3A_255 : memref<512xf32, #tpu.memory_space<vmem>>) dst(%dma_wait3A_258 : memref<1581056xf32, #tpu.memory_space<vmem_shared>>)
            tpu.yield
          }) : () -> ()
        }
      }
      %scan3A_38 = arith.constant 24 : i32
      %barrier3A_39 = arith.constant 0 : index
      tpu.barrier barrier_id(%barrier3A_39)
      %mul3A_40 = arith.constant 12582912 : i32
      %mul3A_41 = arith.muli %add3A, %mul3A_40 : i32
      %add3A_42 = arith.addi %mul3A_41, %mul3A_16 : i32
      %mul3A_43 = arith.constant 98304 : i32
      %mul3A_44 = arith.muli %arg1, %mul3A_43 : i32
      %add3A_45 = arith.addi %add3A_42, %mul3A_44 : i32
      %mul3A_46 = arith.constant 98304 : i32
      %mul3A_47 = arith.muli %arg1, %mul3A_46 : i32
      "tpu.region"() ({
        %run_scoped3A = tpu.sem_alloc : memref<!tpu.dma_semaphore, #tpu.memory_space<semaphore_mem>>
        %dma_start3A_48 = tpu.memref_slice %arg4[%add3A_45] : memref<50331648xf32, #tpu.memory_space<hbm>> -> memref<98304xf32, #tpu.memory_space<hbm>>
        %dma_start3A_49 = tpu.memref_slice %arg12[%mul3A_47] : memref<1581056xf32, #tpu.memory_space<vmem_shared>> -> memref<98304xf32, #tpu.memory_space<vmem_shared>>
        tpu.enqueue_dma source(%dma_start3A_49 : memref<98304xf32, #tpu.memory_space<vmem_shared>>) target(%dma_start3A_48 : memref<98304xf32, #tpu.memory_space<hbm>>) target_semaphore(%run_scoped3A : memref<!tpu.dma_semaphore, #tpu.memory_space<semaphore_mem>>)
        %dma_wait3A = tpu.memref_slice %arg4[%add3A_45] : memref<50331648xf32, #tpu.memory_space<hbm>> -> memref<98304xf32, #tpu.memory_space<hbm>>
        %dma_wait3A_50 = tpu.memref_slice %arg12[%mul3A_47] : memref<1581056xf32, #tpu.memory_space<vmem_shared>> -> memref<98304xf32, #tpu.memory_space<vmem_shared>>
        tpu.wait_dma2 semaphore(%run_scoped3A : memref<!tpu.dma_semaphore, #tpu.memory_space<semaphore_mem>>) src(%dma_wait3A_50 : memref<98304xf32, #tpu.memory_space<vmem_shared>>) dst(%dma_wait3A : memref<98304xf32, #tpu.memory_space<hbm>>)
        tpu.yield
      }) : () -> ()
    }
    %scan3A_10 = arith.constant 16 : i32
    return
  }
}

</mosaic_0001>

<sc_bundles>
// kernel: kernel.3.cloned.1.call-start
scs
__scs_entry_jumppad:
0x0: {  	(pc) =	sbr.rel $0x88, $3  }
0x1: {  	(tag) =	ssettag $0x0;
	lr =	simm.s32 $0x1  }
0x2: {  	[smem:$0x3F9F] =	sst lr;
	_ =	strace $0xD0000000  }
0x3: {  	_ = 	snop  }
0x4: {  	_ = 	snop  }
0x5: {  	_ = 	snop  }
0x6: {  	_ = 	snop  }
0x7: {  	_ = 	snop  }
__scs_overlays_trampoline_lowered:
0x8: {  	[smem:$0x3FAE] =	sst s0  }
0x9: {  	[smem:$0x3FAF] =	sst s1  }
0xa: {  	[smem:$0x3FB0] =	sst s2  }
0xb: {  	[smem:$0x3FB1] =	sst s3  }
0xc: {  	[smem:$0x3FB2] =	sst s4  }
0xd: {  	[smem:$0x3FB3] =	sst s5  }
0xe: {  	[smem:$0x3FB4] =	sst s6  }
0xf: {  	[smem:$0x3FB5] =	sst s7  }
0x10: {  	[smem:$0x3FB6] =	sst s8  }
0x11: {  	[smem:$0x3FB7] =	sst s9;
	s0 =	simm.s32 @!p0 $0x0  }
0x12: {  	s1 =	sld [smem:$0x3F9D];
	s0 =	simm.s32 @p0 $0x1  }
0x13: {  	[smem:$0x3FB8] =	sst s0;
	s0 =	simm.s32 @!p1 $0x0  }
0x14: {  	s2 =	sld [smem:$0x3F9C];
	s0 =	simm.s32 @p1 $0x1  }
0x15: {  	[smem:$0x3FB9] =	sst s0;
	s0 =	simm.s32 @!p2 $0x0  }
0x16: {  	s3 =	sld [smem:$0x3FDB];
	s0 =	simm.s32 @p2 $0x1  }
0x17: {  	s4 =	simm.s32 $0x1BF5;
	[smem:$0x3FBB] =	sst s0  }
0x18: {  	s0 =	sld [smem:$0x3F9E];
	_ =	swait.ge [sflag:s4], $0x0  }
0x19: {  	s7 =	sld [smem:$0x3F9F]  }
0x1a: {  	s8 =	sadd.s32 $0xFFFFE003, lr  }
0x1b: {  	s9 =	sadd.s32 $0xFFFFFEF7, lr;
	s5 =	simm.s32 $0xFFFFFFFF;
	p2 =	slt.u32 s8, $0xFFFFF086  }
0x1c: {  	p1 =	slt.u32 s9, $0xF7A;
	s5 =	simm.s32 @!p2 $0x0  }
0x1d: {  	s5 =	simm.s32 @p1 $0x1;
	p0 =	seq.s32 s7, s2  }
0x1e: {  	s7 =	smul.u32 @!p0 $0xF7A, s2;
	p2 =	seq.s32 @!p0 s5, $0x0  }
0x1f: {  	s9 =	smul.u32 $0xF7A, s1;
	s8 =	simm.s32 @!p0 $0x1BF5;
	p2 =	por !p2, p0  }
0x20: {  	[sflag:s8] =	ssyncset.s32 @!p0 $0xFFFFF086;
	s6 =	sadd.s32 @!p0 s3, s7;
	s7 =	simm.s32 @!p0 $0x108  }
0x21: {  	s3 =	sadd.s32 s3, s9;
	s6 =	sadd.s32 @!p0 $0x88, s6;
	s7 =	simm.s32 @p2 $0x1082  }
0x22: {  	[simem:s7], [sflag:s8] =	dma.local @!p0 [hbm:s6], $0xF7A  }
0x23: {  	s9 =	sor.u32 $0xD0000000, s2;
	s6 =	simm.s32 $0x108;
	_ =	swait.ge @!p0 [sflag:s8], $0x0  }
0x24: {  	s3 =	sadd.s32 $0x88, s3;
	s6 =	simm.s32 @!p1 $0x1082;
	[sflag:s4] =	ssyncset.s32 $0xFFFFF086  }
0x25: {  	[simem:s6], [sflag:s4] =	dma.local [hbm:s3], $0xF7A  }
0x26: {  	[smem:$0x3F9F] =	sst s1;
	(tag) =	ssettag s2;
	_ =	strace s9  }
0x27: {  	s1 =	sld [smem:$0x3FAF]  }
0x28: {  	s2 =	sld [smem:$0x3FB0]  }
0x29: {  	s4 =	sld [smem:$0x3FB2]  }
0x2a: {  	p0 =	seq.s32 s5, $0x0;
	s5 =	sld [smem:$0x3FB3]  }
0x2b: {  	s6 =	sld [smem:$0x3FB4]  }
0x2c: {  	s7 =	sld [smem:$0x3FB5]  }
0x2d: {  	s3 =	simm.s32 $0x108;
	s8 =	sld [smem:$0x3FB6]  }
0x2e: {  	s3 =	simm.s32 @!p0 $0x1082;
	s9 =	sld [smem:$0x3FB7]  }
0x2f: {  	lr =	sadd.s32 s0, s3;
	s0 =	sld [smem:$0x3FAE]  }
0x30: {  	s3 =	sld [smem:$0x3FB1]  }
0x31: {  	[smem:$0x3FBA] =	sst s10  }
0x32: {  	s10 =	sld [smem:$0x3FB8];
	_ =	sdelay $0x3  }
0x33: {  	p0 =	seq.s32 s10, $0x1;
	s10 =	sld [smem:$0x3FBA];
	_ =	sdelay $0x3  }
0x34: {  	[smem:$0x3FBA] =	sst s10  }
0x35: {  	s10 =	sld [smem:$0x3FB9];
	_ =	sdelay $0x3  }
0x36: {  	p1 =	seq.s32 s10, $0x1;
	s10 =	sld [smem:$0x3FBA];
	_ =	sdelay $0x3  }
0x37: {  	[smem:$0x3FBA] =	sst s10  }
0x38: {  	s10 =	sld [smem:$0x3FBB]  }
0x39: {  	_ = 	snop;
	(pc) =	sbr.ind lr, $3  }
0x3a: {  	_ = 	snop  }
0x3b: {  	_ = 	snop  }
0x3c: {  	p2 =	seq.s32 s10, $0x1;
	s10 =	sld [smem:$0x3FBA]  }
0x3d: {  	_ =	shalt  }
0x3e: {  	_ =	shalt  }
0x3f: {  	_ =	shalt  }
0x40: {  	_ =	shalt  }
0x41: {  	_ =	shalt  }
0x42: {  	_ =	shalt  }
0x43: {  	_ =	shalt  }
0x44: {  	_ =	shalt  }
0x45: {  	_ =	shalt  }
0x46: {  	_ =	shalt  }
0x47: {  	_ =	shalt  }
0x48: {  	_ =	shalt  }
0x49: {  	_ =	shalt  }
0x4a: {  	_ =	shalt  }
0x4b: {  	_ =	shalt  }
0x4c: {  	_ =	shalt  }
0x4d: {  	_ =	shalt  }
0x4e: {  	_ =	shalt  }
0x4f: {  	_ =	shalt  }
0x50: {  	_ =	shalt  }
0x51: {  	_ =	shalt  }
0x52: {  	_ =	shalt  }
0x53: {  	_ =	shalt  }
0x54: {  	_ =	shalt  }
0x55: {  	_ =	shalt  }
0x56: {  	_ =	shalt  }
0x57: {  	_ =	shalt  }
0x58: {  	_ =	shalt  }
0x59: {  	_ =	shalt  }
0x5a: {  	_ =	shalt  }
0x5b: {  	_ =	shalt  }
0x5c: {  	_ =	shalt  }
0x5d: {  	_ =	shalt  }
0x5e: {  	_ =	shalt  }
0x5f: {  	_ =	shalt  }
0x60: {  	_ =	shalt  }
0x61: {  	_ =	shalt  }
0x62: {  	_ =	shalt  }
0x63: {  	_ =	shalt  }
0x64: {  	_ =	shalt  }
0x65: {  	_ =	shalt  }
0x66: {  	_ =	shalt  }
0x67: {  	_ =	shalt  }
0x68: {  	_ =	shalt  }
0x69: {  	_ =	shalt  }
0x6a: {  	_ =	shalt  }
0x6b: {  	_ =	shalt  }
0x6c: {  	_ =	shalt  }
0x6d: {  	_ =	shalt  }
0x6e: {  	_ =	shalt  }
0x6f: {  	_ =	shalt  }
0x70: {  	_ =	shalt  }
0x71: {  	_ =	shalt  }
0x72: {  	_ =	shalt  }
0x73: {  	_ =	shalt  }
0x74: {  	_ =	shalt  }
0x75: {  	_ =	shalt  }
0x76: {  	_ =	shalt  }
0x77: {  	_ =	shalt  }
0x78: {  	_ =	shalt  }
0x79: {  	_ =	shalt  }
0x7a: {  	_ =	shalt  }
0x7b: {  	_ =	shalt  }
0x7c: {  	_ =	shalt  }
0x7d: {  	_ =	shalt  }
0x7e: {  	_ =	shalt  }
0x7f: {  	_ =	shalt  }
0x80: {  	_ =	shalt  }
0x81: {  	_ =	shalt  }
0x82: {  	_ =	shalt  }
0x83: {  	_ =	shalt  }
0x84: {  	_ =	shalt  }
0x85: {  	_ =	shalt  }
0x86: {  	_ =	shalt  }
0x87: {  	_ =	shalt  }
.Lfunc_end0:
.L_simem_size_0:
called_computation.1_lowered:
.L_overlay_start_0:
0x88: {  	s2 =	sld [smem:$0x3FD9]  }
0x89: {  	s3 =	sld [smem:$0x3FFE];
	_ =	sdelay $0x1  }
0x8a: {  	s1 =	srdreg.scid  }
0x8b: {  	s0 =	sand.u32 $0x1, s1  }
0x8c: {  	s17 =	sshll.u32 s0, $0xA;
	s2 =	sadd.s32 s3, s2  }
0x8d: {  	s2 =	sadd.s32 s2, s17  }
0x8e: {  	[smem:$0x3FC6] =	sst s2  }
0x8f: {  	_ = 	snop  }
0x90: {  	s2 =	sld [smem:$0x3FD0];
	(tm) =	ssettm $0x1  }
0x91: {  	s18 =	sld [smem:$0x3FFB];
	_ =	sdelay $0x3  }
0x92: {  	_ =	strace s18  }
0x93: {  	s3 =	sld [smem:$0x3FFC];
	_ =	sdelay $0x3  }
0x94: {  	_ =	strace s3  }
0x95: {  	s3 =	sld [smem:$0x3FFD];
	_ =	sdelay $0x3  }
0x96: {  	_ =	strace s3  }
0x97: {  	_ =	strace $0x8FFFFFFF  }
0x98: {  	s19 =	sld [smem:$0x3FDB];
	_ =	sdelay $0x1  }
0x99: {  	s4 =	simm.s32 $_scs_section_size  }
0x9a: {  	s5 =	simm.s32 $_size__tile_overlayer_lowered;
	s6 =	simm.s32 $_tile_overlayer_lowered  }
0x9b: {  	s22 =	simm.s32 $0x1BFF;
	s21 =	sshll.u32 s6, $0x1;
	s3 =	sadd.s32 s4, s19  }
0x9c: {  	s7 =	simm.s32 $0x0;
	s20 =	sshll.u32 s5, $0x1;
	s5 =	sadd.s32 s21, s3  }
0x9d: {  	[timem:s7], [sflag:s22] =	dma.local [hbm:s5], s20  }
0x9e: {  	_ =	swait.ge [sflag:s22], s20  }
0x9f: {  	s4 =	ssub.s32 $0x0, s20;
	[sflag:s22] =	ssyncset.done $0x0  }
0xa0: {  	[sflag:s22] =	ssyncadd.s32 s4;
	_ =	sdelay $0x1  }
0xa1: {  	s23 =	simm.s32 $0x1B8B  }
0xa2: {  	_ =	swait.ge [sflag:s23], $0x1  }
0xa3: {  	[sflag:s23] =	ssyncset.done $0x0  }
0xa4: {  	s25 =	simm.s32 $0x1B8E;
	s24 =	sld [smem:$0x3FFE];
	[sflag:s23] =	ssyncadd.s32 $0xFFFFFFFF  }
0xa5: {  	s26 =	simm.s32 $execute0_lowered;
	[smem:$0x3FD2] =	sst s25  }
0xa6: {  	s5 =	sshll.u32 s26, $0x1;
	_ =	strace $0x80000046;
	[dreg:$0x1] =	wrdreg $0xFFFFFFFF  }
0xa7: {  	s28 =	simm.s32 $_size_execute0_lowered;
	s3 =	sadd.s32 s3, s5;
	[dreg:$0x0] =	wrdreg $0x0  }
0xa8: {  	s5 =	sshll.u32 s28, $0x1;
	[dreg:$0x2] =	wrdreg s3  }
0xa9: {  	[dreg:$0x3] =	wrdreg s5  }
0xaa: {  	[dreg:$0x4] =	wrdreg $0xC0  }
0xab: {  	_ =	task [dreg:s7], $0x5FFFF  }
0xac: {  	[dreg:$0x1] =	wrdreg $0xFFFFFFFF  }
0xad: {  	[dreg:$0x0] =	wrdreg $0x60  }
0xae: {  	[dreg:$0x2] =	wrdreg s24  }
0xaf: {  	[dreg:$0x3] =	wrdreg s2  }
0xb0: {  	[dreg:$0x4] =	wrdreg $0x74000  }
0xb1: {  	[dreg:$0x5] =	wrdreg $0x9  }
0xb2: {  	_ =	task.clear_ibuf [dreg:s7], $0x6FFFF;
	_ =	strace $0x90000046  }
0xb3: {  	s29 =	simm.s32 $0x9;
	_ =	strace $0x80000048  }
0xb4: {  	_ =	swait.ge [sflag:s29], $0x1  }
0xb5: {  	[sflag:s29] =	ssyncadd.s32 $0xFFFFFFFF  }
0xb6: {  	_ =	strace $0x90000048  }
0xb7: {  	_ =	sfence  }
0xb8: {  	s30 =	sld [smem:$0x0];
	_ =	sdelay $0x2  }
0xb9: {  	s31 =	sshll.u32 s1, $0xD;
	s1 =	sshrl.u32 s1, $0x2  }
0xba: {  	s3 =	sand.u32 $0x4000, s31;
	s1 =	sadd.s32 s1, s30  }
0xbb: {  	s0 =	sor.u32 s3, s0;
	s1 =	sshll.u32 s1, $0x11  }
0xbc: {  	s0 =	sor.u32 s1, s0  }
0xbd: {  	s0 =	sadd.s32 $0x8F2B, s0  }
0xbe: {  	[sflag:s0] =	ssyncadd.remote.s32 $0x1  }
0xbf: {  	_ =	sfence.sel $0xFFFF  }
0xc0: {  	[dreg:$0x0] =	wrdreg $0xFFFFFFFF;
	(pc) =	sbr.abs _section_cstart, $3  }
0xc1: {  	[dreg:$0x1] =	wrdreg $0xFFFFFFFF  }
0xc2: {  	_ =	task.clear_ibuf [dreg:s7], $0x2FFFF;
	_ =	strace $0x9FFFFFFF  }
0xc3: {  	(tm) =	ssettm $0x7FFFFFFF  }
tec
execute0_lowered:
.L_overlay_start_1:
0x0: {  	(tag) =	ssettag $0x1  }
0x1: {  	s0 =	rddreg [dreg:$0x0]  }
0x2: {  	s2 =	rddreg [dreg:$0x2]  }
0x3: {  	s4 =	simm.s32 $0x0;
	s1 =	srdreg.scid;
	s5 =	stileid.u32  }
0x4: {  	[smem:$0x7FF] =	sst s4;
	s28 =	smul.u32 $0x60000, s5  }
0x5: {  	s3 =	sand.u32 $0x1, s1;
	s6 =	sadd.s32 $0x800, s0;
	s8 =	smul.u32 $0x18000, s5  }
0x6: {  	s7 =	sadd.s32 $0x180800, s0;
	s30 =	smul.u32 $0x30000, s5;
	s29 =	ssub.s32 $0x2, s3  }
0x7: {  	_ =	strace $0x80000047;
	[dreg:$0x4] =	wrdreg s3;
	s3 =	sshrl.u32 s29, $0x1  }
0x8: {  	s1 =	sshrl.u32 s28, $0x2;
	[dreg:$0x6] =	wrdreg s30;
	s31 =	sadd.s32 s8, s2  }
0x9: {  	[dreg:$0x5] =	wrdreg s8;
	s0 =	ssub.s32 s29, s3;
	s20 =	sshrl.u32 s31, $0x3  }
0xa: {  	s3 =	sadd.s32 s1, s2;
	s0 =	smax.u32 s0, $0x1;
	[dreg:$0x15] =	wrdreg s20  }
0xb: {  	s5 =	sadd.s32 $0x1000, s3;
	[dreg:$0x7] =	wrdreg s0  }
0xc: {  	s8 =	sadd.s32 $0x2000, s3;
	[dreg:$0x8] =	wrdreg s5  }
0xd: {  	s9 =	sadd.s32 $0x3000, s3;
	[dreg:$0x9] =	wrdreg s8  }
0xe: {  	s10 =	sadd.s32 $0x4000, s3;
	[dreg:$0xa] =	wrdreg s9  }
0xf: {  	s11 =	sadd.s32 $0x5000, s3;
	[dreg:$0xb] =	wrdreg s10  }
0x10: {  	s12 =	sadd.s32 $0x6000, s3;
	[dreg:$0xc] =	wrdreg s11  }
0x11: {  	s13 =	sadd.s32 $0x7000, s3;
	[dreg:$0xd] =	wrdreg s12  }
0x12: {  	s14 =	sadd.s32 $0x8000, s3;
	[dreg:$0xe] =	wrdreg s13  }
0x13: {  	s15 =	sadd.s32 $0x9000, s3;
	[dreg:$0xf] =	wrdreg s14  }
0x14: {  	s16 =	sadd.s32 $0xA000, s3;
	[dreg:$0x10] =	wrdreg s15  }
0x15: {  	s17 =	sadd.s32 $0xB000, s3;
	[dreg:$0x11] =	wrdreg s16  }
0x16: {  	s18 =	sadd.s32 $0xC000, s3;
	[dreg:$0x12] =	wrdreg s17  }
0x17: {  	s19 =	sadd.s32 $0xD000, s3;
	[dreg:$0x13] =	wrdreg s18  }
0x18: {  	s21 =	sadd.s32 $0xE000, s3;
	[dreg:$0x14] =	wrdreg s19  }
0x19: {  	s22 =	sadd.s32 $0xF000, s3;
	[dreg:$0x16] =	wrdreg s21  }
0x1a: {  	s23 =	sadd.s32 $0x10000, s3;
	[dreg:$0x17] =	wrdreg s22  }
0x1b: {  	s24 =	sadd.s32 $0x11000, s3;
	[dreg:$0x18] =	wrdreg s23  }
0x1c: {  	s25 =	sadd.s32 $0x12000, s3;
	[dreg:$0x19] =	wrdreg s24  }
0x1d: {  	s26 =	sadd.s32 $0x13000, s3;
	[dreg:$0x1a] =	wrdreg s25  }
0x1e: {  	s1 =	simm.s32 $0x0;
	s28 =	sadd.s32 $0x14000, s3;
	[dreg:$0x1b] =	wrdreg s26  }
0x1f: {  	s29 =	sadd.s32 $0x15000, s3;
	s30 =	sadd.s32 $0x16000, s3;
	[dreg:$0x1c] =	wrdreg s28  }
0x20: {  	s31 =	sadd.s32 $0x17000, s3;
	s20 =	simm.s32 $0x4;
	[dreg:$0x1d] =	wrdreg s29  }
.Ltmp0:
0x21: {  	[dreg:$0x1e] =	wrdreg s30;
	s5 =	smov.u32 s3;
	(pc) =	sbr.rel .LBB2_1-.Ltmp0, $4  }
0x22: {  	[dreg:$0x1f] =	wrdreg s31;
	s8 =	simm.s32 $0x4000;
	s9 =	simm.s32 $0x5  }
0x23: {  	s12 =	simm.s32 $0x1;
	s13 =	simm.s32 $0x3;
	s14 =	simm.s32 $0x1000  }
0x24: {  	v0 =	vlaneseq.u32;
	s15 =	simm.s32 $0x3000;
	s16 =	simm.s32 $0x5000;
	s17 =	simm.s32 $0x6200  }
0x25: {  	v1 =	vimm.f32 $0.0e+00;
	v2 =	vimm.s32 $0x0;
	v3 =	vmul.u32 $0x400, v0;
	s18 =	simm.s32 $0x200;
	s19 =	simm.s32 $0x2;
	s21 =	simm.s32 $0x0  }
.LBB2_35:
0x26: {  	s1 =	sld [smem:$0x7FD];
	_ =	sdelay $0x2  }
0x27: {  	s0 =	rddreg [dreg:$0x7];
	s1 =	sadd.s32 $0x1, s1  }
0x28: {  	p0 =	sne.s32 s1, s0  }
.Ltmp1:
0x29: {  	_ = 	snop;
	(pc) =	sbr.rel @!p0 .LBB2_36-.Ltmp1, $1  }
0x2a: {  	_ =	sdelay $0x3  }
.LBB2_1:
0x2b: {  	[smem:$0x7FD] =	sst s1;
	s0 =	simm.s32 $0x40;
	s10 =	simm.s32 $0x0  }
.LBB2_2:
0x2c: {  	p0 =	sne.s32 s0, $0x3FC0;
	[tilespmem:s10+$0x4000] =	vst v1;
	s10 =	smov.u32 s0;
	s0 =	sadd.s32 $0x40, s0  }
.Ltmp2:
0x2d: {  	(pc) =	sbr.rel @p0 .LBB2_2-.Ltmp2, $2  }
0x2e: {  	_ =	sdelay $0x2  }
0x2f: {  	s10 =	sshra.s32 s10, $0x2  }
.Ltmp3:
0x30: {  	(pc) =	sbr.rel .LBB2_4-.Ltmp3, $2  }
0x31: {  	_ =	sdelay $0x2  }
0x32: {  	[tilespmem:s10+$0x4000] =	vst v1;
	s22 =	simm.s32 $0x0  }
.LBB2_34:
0x33: {  	s0 =	smul.u32 $0xC00000, s23;
	s1 =	rddreg [dreg:$0x5];
	[bflag:$0x0] =	sbarrier.arrive $0xFFFF  }
0x34: {  	s30 =	stileid.u32;
	s1 =	sadd.s32 s1, s24;
	s3 =	rddreg [dreg:$0x1]  }
0x35: {  	s22 =	sadd.s32 $0x1, s22;
	s31 =	rddreg [dreg:$0x15];
	s0 =	sadd.s32 s0, s1  }
0x36: {  	p0 =	sne.s32 s22, $0x10;
	s1 =	sshll.u32 s30, $0x6;
	s0 =	sshrl.u32 s0, $0x3  }
.Ltmp4:
0x37: {  	s1 =	sor.u32 $0x1C05, s1;
	s0 =	sadd.s32 s3, s0;
	(pc) =	sbr.rel @!p0 .LBB2_35-.Ltmp4, $4  }
0x38: {  	[hbm:s0], [sflag:s1] =	dma.local [spmem:s31], $0x3000  }
0x39: {  	_ =	swait.ge [sflag:s9], $0x3000  }
0x3a: {  	[sflag:s9] =	ssyncset.done $0x0  }
0x3b: {  	[sflag:s9] =	ssyncadd.s32 $0xFFFFD000  }
.LBB2_4:
0x3c: {  	s0 =	sshrl.u32 s22, $0x2  }
0x3d: {  	s1 =	rddreg [dreg:$0x4];
	s0 =	sand.u32 $0x2, s0  }
0x3e: {  	s23 =	sor.u32 s1, s0  }
0x3f: {  	s0 =	smul.u32 $0x300000, s23  }
0x40: {  	s3 =	rddreg [dreg:$0x6]  }
0x41: {  	s26 =	sadd.s32 s3, s0  }
0x42: {  	s0 =	sshrl.u32 s26, $0x3  }
0x43: {  	s10 =	sadd.s32 s7, s0  }
0x44: {  	[tilespmem:s21], [sflag:$0x1] =	stream.linear.gather [hbm4b:s10+s21], $0x1000, $0x38;
	[tilespmem:$0x1F600] =	vst v63  }
0x45: {  	s0 =	sadd.s32 s6, s0;
	s10 =	simm.s32 $0x2000  }
0x46: {  	[tilespmem:s10], [sflag:$0x3] =	stream.linear.gather [hbm4b:s0+s21], $0x1000, $0x38;
	[tilespmem:$0x1F600] =	vst v63  }
0x47: {  	_ = 	snop  }
0x48: {  	[spmem:s5] =	stream.linear.scatter [tilespmem:s8], [sflag:$0x5], $0x1000, $0x38;
	[tilespmem:$0x1F600] =	vst v63  }
0x49: {  	_ =	swait.ge [sflag:s9], $0x1000  }
0x4a: {  	[sflag:s9] =	ssyncset.done $0x0  }
0x4b: {  	s11 =	rddreg [dreg:$0x8];
	[sflag:s9] =	ssyncadd.s32 $0xFFFFF000  }
0x4c: {  	[spmem:s11] =	stream.linear.scatter [tilespmem:s8], [sflag:$0x5], $0x1000, $0x38;
	[tilespmem:$0x1F600] =	vst v63  }
0x4d: {  	_ =	swait.ge [sflag:s9], $0x1000  }
0x4e: {  	[sflag:s9] =	ssyncset.done $0x0  }
0x4f: {  	s24 =	rddreg [dreg:$0x9];
	[sflag:s9] =	ssyncadd.s32 $0xFFFFF000  }
0x50: {  	[spmem:s24] =	stream.linear.scatter [tilespmem:s8], [sflag:$0x5], $0x1000, $0x38;
	[tilespmem:$0x1F600] =	vst v63  }
0x51: {  	_ =	swait.ge [sflag:s9], $0x1000  }
0x52: {  	[sflag:s9] =	ssyncset.done $0x0  }
0x53: {  	s25 =	rddreg [dreg:$0xa];
	[sflag:s9] =	ssyncadd.s32 $0xFFFFF000  }
0x54: {  	[spmem:s25] =	stream.linear.scatter [tilespmem:s8], [sflag:$0x5], $0x1000, $0x38;
	[tilespmem:$0x1F600] =	vst v63  }
0x55: {  	_ =	swait.ge [sflag:s9], $0x1000  }
0x56: {  	[sflag:s9] =	ssyncset.done $0x0  }
0x57: {  	s29 =	rddreg [dreg:$0xb];
	[sflag:s9] =	ssyncadd.s32 $0xFFFFF000  }
0x58: {  	[spmem:s29] =	stream.linear.scatter [tilespmem:s8], [sflag:$0x5], $0x1000, $0x38;
	[tilespmem:$0x1F600] =	vst v63  }
0x59: {  	_ =	swait.ge [sflag:s9], $0x1000  }
0x5a: {  	[sflag:s9] =	ssyncset.done $0x0  }
0x5b: {  	s30 =	rddreg [dreg:$0xc];
	[sflag:s9] =	ssyncadd.s32 $0xFFFFF000  }
0x5c: {  	[spmem:s30] =	stream.linear.scatter [tilespmem:s8], [sflag:$0x5], $0x1000, $0x38;
	[tilespmem:$0x1F600] =	vst v63  }
0x5d: {  	_ =	swait.ge [sflag:s9], $0x1000  }
0x5e: {  	[sflag:s9] =	ssyncset.done $0x0  }
0x5f: {  	s31 =	rddreg [dreg:$0xd];
	[sflag:s9] =	ssyncadd.s32 $0xFFFFF000  }
0x60: {  	[spmem:s31] =	stream.linear.scatter [tilespmem:s8], [sflag:$0x5], $0x1000, $0x38;
	[tilespmem:$0x1F600] =	vst v63  }
0x61: {  	_ =	swait.ge [sflag:s9], $0x1000  }
0x62: {  	[sflag:s9] =	ssyncset.done $0x0  }
0x63: {  	s1 =	rddreg [dreg:$0xe];
	[sflag:s9] =	ssyncadd.s32 $0xFFFFF000  }
0x64: {  	[spmem:s1] =	stream.linear.scatter [tilespmem:s8], [sflag:$0x5], $0x1000, $0x38;
	[tilespmem:$0x1F600] =	vst v63  }
0x65: {  	_ =	swait.ge [sflag:s9], $0x1000  }
0x66: {  	[sflag:s9] =	ssyncset.done $0x0  }
0x67: {  	s3 =	rddreg [dreg:$0xf];
	[sflag:s9] =	ssyncadd.s32 $0xFFFFF000  }
0x68: {  	[spmem:s3] =	stream.linear.scatter [tilespmem:s8], [sflag:$0x5], $0x1000, $0x38;
	[tilespmem:$0x1F600] =	vst v63  }
0x69: {  	_ =	swait.ge [sflag:s9], $0x1000  }
0x6a: {  	[sflag:s9] =	ssyncset.done $0x0  }
0x6b: {  	s10 =	rddreg [dreg:$0x10];
	[sflag:s9] =	ssyncadd.s32 $0xFFFFF000  }
0x6c: {  	[spmem:s10] =	stream.linear.scatter [tilespmem:s8], [sflag:$0x5], $0x1000, $0x38;
	[tilespmem:$0x1F600] =	vst v63  }
0x6d: {  	_ =	swait.ge [sflag:s9], $0x1000  }
0x6e: {  	[sflag:s9] =	ssyncset.done $0x0  }
0x6f: {  	s11 =	rddreg [dreg:$0x11];
	[sflag:s9] =	ssyncadd.s32 $0xFFFFF000  }
0x70: {  	[spmem:s11] =	stream.linear.scatter [tilespmem:s8], [sflag:$0x5], $0x1000, $0x38;
	[tilespmem:$0x1F600] =	vst v63  }
0x71: {  	_ =	swait.ge [sflag:s9], $0x1000  }
0x72: {  	[sflag:s9] =	ssyncset.done $0x0  }
0x73: {  	s24 =	rddreg [dreg:$0x12];
	[sflag:s9] =	ssyncadd.s32 $0xFFFFF000  }
0x74: {  	[spmem:s24] =	stream.linear.scatter [tilespmem:s8], [sflag:$0x5], $0x1000, $0x38;
	[tilespmem:$0x1F600] =	vst v63  }
0x75: {  	_ =	swait.ge [sflag:s9], $0x1000  }
0x76: {  	[sflag:s9] =	ssyncset.done $0x0  }
0x77: {  	s25 =	rddreg [dreg:$0x13];
	[sflag:s9] =	ssyncadd.s32 $0xFFFFF000  }
0x78: {  	[spmem:s25] =	stream.linear.scatter [tilespmem:s8], [sflag:$0x5], $0x1000, $0x38;
	[tilespmem:$0x1F600] =	vst v63  }
0x79: {  	_ =	swait.ge [sflag:s9], $0x1000  }
0x7a: {  	[sflag:s9] =	ssyncset.done $0x0  }
0x7b: {  	s29 =	rddreg [dreg:$0x14];
	[sflag:s9] =	ssyncadd.s32 $0xFFFFF000  }
0x7c: {  	[spmem:s29] =	stream.linear.scatter [tilespmem:s8], [sflag:$0x5], $0x1000, $0x38;
	[tilespmem:$0x1F600] =	vst v63  }
0x7d: {  	_ =	swait.ge [sflag:s9], $0x1000  }
0x7e: {  	[sflag:s9] =	ssyncset.done $0x0  }
0x7f: {  	s30 =	rddreg [dreg:$0x16];
	[sflag:s9] =	ssyncadd.s32 $0xFFFFF000  }
0x80: {  	[spmem:s30] =	stream.linear.scatter [tilespmem:s8], [sflag:$0x5], $0x1000, $0x38;
	[tilespmem:$0x1F600] =	vst v63  }
0x81: {  	_ =	swait.ge [sflag:s9], $0x1000  }
0x82: {  	[sflag:s9] =	ssyncset.done $0x0  }
0x83: {  	s31 =	rddreg [dreg:$0x17];
	[sflag:s9] =	ssyncadd.s32 $0xFFFFF000  }
0x84: {  	[spmem:s31] =	stream.linear.scatter [tilespmem:s8], [sflag:$0x5], $0x1000, $0x38;
	[tilespmem:$0x1F600] =	vst v63  }
0x85: {  	_ =	swait.ge [sflag:s9], $0x1000  }
0x86: {  	[sflag:s9] =	ssyncset.done $0x0  }
0x87: {  	s1 =	rddreg [dreg:$0x18];
	[sflag:s9] =	ssyncadd.s32 $0xFFFFF000  }
0x88: {  	[spmem:s1] =	stream.linear.scatter [tilespmem:s8], [sflag:$0x5], $0x1000, $0x38;
	[tilespmem:$0x1F600] =	vst v63  }
0x89: {  	_ =	swait.ge [sflag:s9], $0x1000  }
0x8a: {  	[sflag:s9] =	ssyncset.done $0x0  }
0x8b: {  	s3 =	rddreg [dreg:$0x19];
	[sflag:s9] =	ssyncadd.s32 $0xFFFFF000  }
0x8c: {  	[spmem:s3] =	stream.linear.scatter [tilespmem:s8], [sflag:$0x5], $0x1000, $0x38;
	[tilespmem:$0x1F600] =	vst v63  }
0x8d: {  	_ =	swait.ge [sflag:s9], $0x1000  }
0x8e: {  	[sflag:s9] =	ssyncset.done $0x0  }
0x8f: {  	s10 =	rddreg [dreg:$0x1a];
	[sflag:s9] =	ssyncadd.s32 $0xFFFFF000  }
0x90: {  	[spmem:s10] =	stream.linear.scatter [tilespmem:s8], [sflag:$0x5], $0x1000, $0x38;
	[tilespmem:$0x1F600] =	vst v63  }
0x91: {  	_ =	swait.ge [sflag:s9], $0x1000  }
0x92: {  	[sflag:s9] =	ssyncset.done $0x0  }
0x93: {  	s11 =	rddreg [dreg:$0x1b];
	[sflag:s9] =	ssyncadd.s32 $0xFFFFF000  }
0x94: {  	[spmem:s11] =	stream.linear.scatter [tilespmem:s8], [sflag:$0x5], $0x1000, $0x38;
	[tilespmem:$0x1F600] =	vst v63  }
0x95: {  	_ =	swait.ge [sflag:s9], $0x1000  }
0x96: {  	[sflag:s9] =	ssyncset.done $0x0  }
0x97: {  	s24 =	rddreg [dreg:$0x1c];
	[sflag:s9] =	ssyncadd.s32 $0xFFFFF000  }
0x98: {  	[spmem:s24] =	stream.linear.scatter [tilespmem:s8], [sflag:$0x5], $0x1000, $0x38;
	[tilespmem:$0x1F600] =	vst v63  }
0x99: {  	_ =	swait.ge [sflag:s9], $0x1000  }
0x9a: {  	[sflag:s9] =	ssyncset.done $0x0  }
0x9b: {  	s25 =	rddreg [dreg:$0x1d];
	[sflag:s9] =	ssyncadd.s32 $0xFFFFF000  }
0x9c: {  	[spmem:s25] =	stream.linear.scatter [tilespmem:s8], [sflag:$0x5], $0x1000, $0x38;
	[tilespmem:$0x1F600] =	vst v63  }
0x9d: {  	_ =	swait.ge [sflag:s9], $0x1000  }
0x9e: {  	[sflag:s9] =	ssyncset.done $0x0  }
0x9f: {  	s29 =	rddreg [dreg:$0x1e];
	[sflag:s9] =	ssyncadd.s32 $0xFFFFF000  }
0xa0: {  	[spmem:s29] =	stream.linear.scatter [tilespmem:s8], [sflag:$0x5], $0x1000, $0x38;
	[tilespmem:$0x1F600] =	vst v63  }
0xa1: {  	_ =	swait.ge [sflag:s9], $0x1000  }
0xa2: {  	[sflag:s9] =	ssyncset.done $0x0  }
0xa3: {  	s30 =	rddreg [dreg:$0x1f];
	[sflag:s9] =	ssyncadd.s32 $0xFFFFF000  }
0xa4: {  	[spmem:s30] =	stream.linear.scatter [tilespmem:s8], [sflag:$0x5], $0x1000, $0x38;
	[tilespmem:$0x1F600] =	vst v63  }
.Ltmp5:
0xa5: {  	_ =	swait.ge [sflag:s9], $0x1000;
	(pc) =	sbr.rel .LBB2_5-.Ltmp5, $4  }
0xa6: {  	s31 =	sand.u32 $0x7, s22;
	[sflag:s9] =	ssyncset.done $0x0  }
0xa7: {  	s24 =	smul.u32 $0x180000, s31;
	[sflag:s9] =	ssyncadd.s32 $0xFFFFF000  }
0xa8: {  	[bflag:$0x0] =	sbarrier.arrive $0xFFFF  }
0xa9: {  	s28 =	simm.s32 $0x0;
	v4 =	vmov s24;
	s25 =	sor.u32 $0x1000, s26;
	s26 =	sor.u32 $0x2000, s26  }
.LBB2_32:
0xaa: {  	[sflag:s9] =	ssyncadd.s32 $0xFFFFFE00  }
.LBB2_33:
0xab: {  	s28 =	sadd.s32 $0x1, s28  }
0xac: {  	p0 =	sne.s32 s28, $0x18  }
.Ltmp6:
0xad: {  	_ = 	snop;
	(pc) =	sbr.rel @!p0 .LBB2_34-.Ltmp6, $1  }
0xae: {  	_ =	sdelay $0x3  }
.LBB2_5:
0xaf: {  	_ =	swait.ge [sflag:s12], $0x1000  }
0xb0: {  	[sflag:s12] =	ssyncset.done $0x0  }
0xb1: {  	s29 =	sshll.u32 s28, $0xD;
	[sflag:s12] =	ssyncadd.s32 $0xFFFFF000  }
0xb2: {  	s0 =	sadd.s32 s29, s25;
	_ =	swait.ge [sflag:s13], $0x1000  }
0xb3: {  	s0 =	sshrl.u32 s0, $0x3;
	[sflag:s13] =	ssyncset.done $0x0  }
0xb4: {  	s10 =	sadd.s32 s7, s0;
	[sflag:s13] =	ssyncadd.s32 $0xFFFFF000  }
0xb5: {  	[tilespmem:s14], [sflag:$0x2] =	stream.linear.gather [hbm4b:s10+s4], $0x1000, $0x38;
	[tilespmem:$0x1F600] =	vst v63  }
0xb6: {  	s1 =	simm.s32 $0x20;
	s0 =	sadd.s32 s6, s0  }
0xb7: {  	[tilespmem:s15], [sflag:$0x4] =	stream.linear.gather [hbm4b:s0+s4], $0x1000, $0x38;
	[tilespmem:$0x1F600] =	vst v63  }
0xb8: {  	v6 =	vld [tilespmem:s1+$0x10]  }
0xb9: {  	v5 =	vld [tilespmem:s1+$0xFFFFFFE0]  }
0xba: {  	v9 =	vimm.s32 $0x0;
	v7 =	vld [tilespmem:s1+$0xFFFFFFF0]  }
0xbb: {  	s11 =	simm.s32 $0x60;
	v10 =	vshll.u32 v9, $0x4;
	v8 =	vld [tilespmem:s1+$0x0]  }
0xbc: {  	v16 =	vor.u32 v0, v10;
	v10 =	vld [tilespmem:s11+$0xFFFFFFF0];
	_ =	sdelay $0x3  }
0xbd: {  	v11 =	vsub.s32 v5, v4;
	v5 =	vsub.s32 v7, v4;
	v15 =	vsub.s32 v6, v4  }
0xbe: {  	s3 =	simm.s32 $0x2020;
	v17 =	vsub.s32 v8, v4;
	v10 =	vsub.s32 v10, v4;
	vm2 =	vlt.u32 v11, $0x180000  }
0xbf: {  	v12 =	vld [tilespmem:s3+$0xFFFFFFE0];
	vm0 =	vlt.u32 v5, $0x180000;
	vm1 =	vlt.u32 v17, $0x180000;
	v6 =	vsel vm2, $0x1, v2  }
0xc0: {  	v13 =	vld [tilespmem:s11+$0xFFFFFFE0];
	vm5 =	vlt.u32 v15, $0x180000;
	v7 =	vsel vm0, $0x1, v2;
	v6 =	vadd.s32 v6, v9  }
0xc1: {  	v14 =	vld [tilespmem:s11+$0x10];
	vm3 =	vlt.u32 v10, $0x180000;
	v8 =	vsel vm1, $0x1, v2;
	v7 =	vadd.s32 v7, v6  }
0xc2: {  	v18 =	vld [tilespmem:s11+$0x0];
	vm6 =	vmmov vm1;
	v8 =	vadd.s32 v8, v7;
	v7 =	vshll.u32 v7, $0x4  }
0xc3: {  	vm1 =	vmmov vm0;
	v19 =	vshll.u32 v8, $0x4;
	v22 =	vor.u32 v0, v7  }
0xc4: {  	v21 =	vld [tilespmem:s3+$0x10];
	v9 =	vsel vm5, $0x1, v2;
	v6 =	vshll.u32 v6, $0x4;
	v19 =	vor.u32 v0, v19  }
0xc5: {  	s30 =	simm.s32 $0x2060;
	v23 =	vld [tilespmem:s3+$0x0];
	v20 =	vadd.s32 v9, v8;
	v9 =	vor.u32 v0, v6;
	v7 =	vsub.s32 v13, v4  }
0xc6: {  	v13 =	vld [tilespmem:s30+$0xFFFFFFE0];
	v6 =	vsub.s32 v14, v4;
	v8 =	vshll.u32 v20, $0x4;
	[tilespmem:v16+s16+$0x0] =	vst.idx.msk vm2, v11;
	vm0 =	vlt.u32 v7, $0x180000  }
0xc7: {  	s31 =	simm.s32 $0xA0;
	v14 =	vld [tilespmem:s3+$0xFFFFFFF0];
	v11 =	vsub.s32 v18, v4;
	v18 =	vsel vm3, $0x1, v2;
	[tilespmem:v16+s17+$0x0] =	vst.idx.msk vm2, v12;
	v16 =	vsel vm0, $0x1, v2  }
0xc8: {  	v8 =	vor.u32 v0, v8;
	v12 =	vld [tilespmem:s31+$0x10];
	vm4 =	vlt.u32 v11, $0x180000;
	v24 =	vadd.s32 v16, v20;
	[tilespmem:v22+s16+$0x0] =	vst.idx.msk vm6, v17  }
0xc9: {  	vm2 =	vlt.u32 v6, $0x180000;
	v16 =	vld [tilespmem:s31+$0xFFFFFFE0];
	v20 =	vsel vm4, $0x1, v2;
	[tilespmem:v19+s16+$0x0] =	vst.idx.msk vm5, v15;
	v15 =	vadd.s32 v18, v24  }
0xca: {  	v25 =	vsel vm2, $0x1, v2;
	[tilespmem:v19+s17+$0x0] =	vst.idx.msk vm5, v21;
	v19 =	vld [tilespmem:s31+$0xFFFFFFF0];
	v18 =	vshll.u32 v15, $0x4;
	v15 =	vadd.s32 v20, v15  }
0xcb: {  	s10 =	simm.s32 $0x2060;
	s0 =	simm.s32 $0x80;
	v17 =	vshll.u32 v24, $0x4;
	[tilespmem:v22+s17+$0x0] =	vst.idx.msk vm6, v23;
	v20 =	vld [tilespmem:s31+$0x0];
	v21 =	vshll.u32 v15, $0x4;
	v15 =	vadd.s32 v25, v15  }
.LBB2_6:
0xcc: {  	v23 =	vor.u32 v0, v18  }
0xcd: {  	s0 =	sadd.s32 $0x40, s0;
	v22 =	vshll.u32 v15, $0x4;
	v18 =	vor.u32 v0, v21;
	[tilespmem:v9+s16+$0x0] =	vst.idx.msk vm1, v5;
	v5 =	vmovc v10;
	vm5 =	vmmov vm4  }
0xce: {  	s10 =	sadd.s32 $0x40, s10;
	p0 =	slt.u32 s0, $0xFC0;
	v21 =	vor.u32 v0, v22;
	v22 =	vld [tilespmem:s30+$0x10];
	[tilespmem:v9+s17+$0x0] =	vst.idx.msk vm1, v14;
	v9 =	vor.u32 v0, v17;
	vm1 =	vmmov vm3  }
0xcf: {  	v17 =	vld [tilespmem:s10+$0xFFFFFFE0];
	[tilespmem:v8+s16+$0x0] =	vst.idx.msk vm0, v7;
	v7 =	vsub.s32 v16, v4  }
0xd0: {  	v16 =	vsub.s32 v12, v4;
	v10 =	vsub.s32 v19, v4;
	[tilespmem:v8+s17+$0x0] =	vst.idx.msk vm0, v13;
	vm0 =	vlt.u32 v7, $0x180000;
	v24 =	vld [tilespmem:s30+$0x0]  }
.Ltmp7:
0xd1: {  	s31 =	sadd.s32 $0x40, s31;
	v8 =	vmovc v21;
	v13 =	vsel vm0, $0x1, v2;
	vm3 =	vlt.u32 v10, $0x180000;
	v25 =	vsub.s32 v20, v4;
	v14 =	vld [tilespmem:s30+$0xFFFFFFF0];
	s30 =	smov.u32 s10;
	(pc) =	sbr.rel @p0 .LBB2_6-.Ltmp7, $4  }
0xd2: {  	v12 =	vld [tilespmem:s31+$0x10];
	v15 =	vadd.s32 v13, v15;
	v27 =	vsel vm3, $0x1, v2;
	vm4 =	vlt.u32 v25, $0x180000;
	[tilespmem:v18+s16+$0x0] =	vst.idx.msk vm2, v6;
	v6 =	vmovc v16  }
0xd3: {  	v16 =	vld [tilespmem:s31+$0xFFFFFFE0];
	v21 =	vadd.s32 v27, v15;
	v20 =	vsel vm4, $0x1, v2;
	[tilespmem:v18+s17+$0x0] =	vst.idx.msk vm2, v22;
	vm2 =	vlt.u32 v6, $0x180000  }
0xd4: {  	v19 =	vld [tilespmem:s31+$0xFFFFFFF0];
	v18 =	vshll.u32 v21, $0x4;
	v22 =	vadd.s32 v20, v21;
	v26 =	vsel vm2, $0x1, v2;
	[tilespmem:v23+s16+$0x0] =	vst.idx.msk vm5, v11;
	v13 =	vmovc v17  }
0xd5: {  	v17 =	vshll.u32 v15, $0x4;
	v11 =	vmovc v25;
	v20 =	vld [tilespmem:s31+$0x0];
	v21 =	vshll.u32 v22, $0x4;
	v15 =	vadd.s32 v26, v22;
	[tilespmem:v23+s17+$0x0] =	vst.idx.msk vm5, v24  }
0xd6: {  	_ =	sdelay $0x1  }
0xd7: {  	v16 =	vsub.s32 v16, v4  }
0xd8: {  	v22 =	vsub.s32 v12, v4;
	vm5 =	vlt.u32 v16, $0x180000;
	v19 =	vsub.s32 v19, v4  }
0xd9: {  	v12 =	vsel vm5, $0x1, v2;
	vm7 =	vlt.u32 v19, $0x180000;
	v20 =	vsub.s32 v20, v4  }
0xda: {  	v23 =	vadd.s32 v12, v15;
	v12 =	vsel vm7, $0x1, v2;
	vm8 =	vlt.u32 v20, $0x180000  }
0xdb: {  	vm6 =	vlt.u32 v22, $0x180000;
	v24 =	vadd.s32 v12, v23;
	v12 =	vsel vm8, $0x1, v2  }
0xdc: {  	v25 =	vadd.s32 v12, v24;
	v12 =	vsel vm6, $0x1, v2  }
0xdd: {  	v12 =	vadd.s32 v12, v25  }
0xde: {  	v26 =	vxor.u32 $0x80000000, v12  }
0xdf: {  	(xrf0) =	vmax.scan.msk.u32 $0xffff, v26;
	_ =	sdelay $0x5  }
0xe0: {  	v26, _, _ =	vpop (xrf0)  }
0xe1: {  	(v2sf) =	vpush v26, $0xF;
	_ =	sdelay $0x9  }
0xe2: {  	v21 =	vor.u32 v0, v21  }
0xe3: {  	[tilespmem:v9+s16+$0x0] =	vst.idx.msk vm1, v5;
	v5 =	vld [tilespmem:s30+$0x10]  }
0xe4: {  	vm4 =	vmmov vm4;
	[tilespmem:v8+s16+$0x0] =	vst.idx.msk vm0, v7;
	v59 =	vor.u32 v0, v17  }
0xe5: {  	v58 =	vor.u32 v0, v18;
	[tilespmem:v9+s17+$0x0] =	vst.idx.msk vm1, v14  }
0xe6: {  	v7 =	vld [tilespmem:s30+$0x0];
	[tilespmem:v8+s17+$0x0] =	vst.idx.msk vm0, v13;
	v13 =	vshll.u32 v15, $0x4  }
0xe7: {  	s0 =	sadd.s32 $0x40, s10;
	v13 =	vor.u32 v0, v13;
	[tilespmem:v21+s16+$0x0] =	vst.idx.msk vm2, v6;
	s1 =	spop (v2sf)  }
0xe8: {  	[tilespmem:v21+s17+$0x0] =	vst.idx.msk vm2, v5;
	v5 =	vld [tilespmem:s0+$0xFFFFFFE0];
	s10 =	sadd.s32 $0x8000001F, s1  }
0xe9: {  	v6 =	vld [tilespmem:s30+$0xFFFFFFF0];
	[tilespmem:v59+s16+$0x0] =	vst.idx.msk vm3, v10;
	s11 =	sand.u32 $0x1F, s10  }
0xea: {  	[tilespmem:v58+s16+$0x0] =	vst.idx.msk vm4, v11;
	v61 =	vshll.u32 v24, $0x4;
	s3 =	sshra.s32 s10, $0x1F;
	p1 =	slt.s32 s10, $0x1;
	p0 =	sne.s32 s11, $0x0  }
0xeb: {  	v62 =	vld [tilespmem:s0+$0x10];
	[tilespmem:v58+s17+$0x0] =	vst.idx.msk vm4, v7;
	v60 =	vshll.u32 v25, $0x4;
	v9 =	vor.u32 v0, v61;
	s11 =	sshrl.u32 s3, $0x1B;
	p0 =	por !p1, !p0  }
0xec: {  	v63 =	vld [tilespmem:s0+$0x0];
	v7 =	vor.u32 v0, v60;
	[tilespmem:v13+s16+$0x0] =	vst.idx.msk vm5, v16;
	s30 =	sadd.s32 s11, s10;
	s10 =	simm.s32 $0x1;
	p0 =	por !p0, !p0  }
0xed: {  	[tilespmem:v13+s17+$0x0] =	vst.idx.msk vm5, v5;
	v5 =	vld [tilespmem:s0+$0xFFFFFFF0];
	s0 =	sshra.s32 s30, $0x5;
	s10 =	simm.s32 @!p0 $0x0  }
0xee: {  	[tilespmem:v59+s17+$0x0] =	vst.idx.msk vm3, v6;
	v6 =	vshll.u32 v23, $0x4;
	s10 =	ssub.s32 s0, s10  }
0xef: {  	v6 =	vor.u32 v0, v6;
	s31 =	sshll.u32 s10, $0x5  }
0xf0: {  	[tilespmem:v9+s16+$0x0] =	vst.idx.msk vm8, v20;
	p1 =	slt.s32 s31, $0x1  }
.Ltmp8:
0xf1: {  	[tilespmem:v7+s16+$0x0] =	vst.idx.msk vm6, v22;
	(pc) =	sbr.rel @p1 .LBB2_15-.Ltmp8, $4  }
0xf2: {  	[tilespmem:v9+s17+$0x0] =	vst.idx.msk vm8, v63  }
0xf3: {  	[tilespmem:v7+s17+$0x0] =	vst.idx.msk vm6, v62  }
0xf4: {  	[tilespmem:v6+s16+$0x0] =	vst.idx.msk vm7, v19  }
0xf5: {  	vm14 =	vmmov vm3;
	vm1 =	vmmov vm7;
	vm15 =	vmmov vm8;
	[tilespmem:v6+s17+$0x0] =	vst.idx.msk vm7, v5  }
0xf6: {  	s11 =	simm.s32 $0xFFFFFFFF  }
0xf7: {  	s11 =	simm.s32 @!p0 $0x0  }
0xf8: {  	s0 =	sshll.u32 s0, $0x5;
	s11 =	sshll.u32 s11, $0x5  }
0xf9: {  	s0 =	sadd.s32 s11, s0  }
0xfa: {  	p1 =	sne.s32 s0, $0x1  }
.Ltmp9:
0xfb: {  	s11 =	simm.s32 $0x0;
	(pc) =	sbr.rel @!p1 .LBB2_9-.Ltmp9, $2  }
0xfc: {  	v5 =	vor.u32 s11, v0;
	_ =	sdelay $0x2  }
0xfd: {  	s30 =	simm.s32 $0x1;
	s31 =	simm.s32 $0x10;
	p0 =	por $0x0, $0x0;
	vm2 =	vle.s32 v12, s11  }
0xfe: {  	p1 =	sne.s32 s0, $0x2  }
.Ltmp10:
0xff: {  	vm0 =	vmmov vm2;
	(pc) =	sbr.rel @!p1 .LBB2_11-.Ltmp10, $4  }
0x100: {  	_ = 	snop  }
0x101: {  	s11 =	sand.u32 $0x3FF, s11  }
0x102: {  	v7 =	vor.u32 s11, v3  }
0x103: {  	v6 =	vor.u32 s31, v0;
	s31 =	simm.s32 $0x2;
	vm1 =	vle.s32 v12, s30;
	p0 =	por $0x1, $0x1;
	s11 =	simm.s32 $0x20;
	[tilespmem:v5+s16+$0x0] =	vst.idx.msk vm2, v7  }
.LBB2_12:
0x104: {  	s1 =	smov.u32 s31;
	s31 =	sadd.s32 $0x1, s31  }
0x105: {  	[tilespmem:v5+s17+$0x0] =	vst.idx.msk vm0, v1;
	v5 =	vmov v6;
	v6 =	vor.u32 s11, v0;
	vm0 =	vmmov vm1;
	p1 =	sne.s32 s0, s31  }
.Ltmp11:
0x106: {  	(pc) =	sbr.rel @p1 .LBB2_12-.Ltmp11, $4  }
0x107: {  	_ = 	snop  }
0x108: {  	s3 =	sand.u32 $0x3FF, s30;
	s30 =	smov.u32 s1  }
0x109: {  	v7 =	vor.u32 s3, v3  }
0x10a: {  	s11 =	sadd.s32 $0x10, s11;
	[tilespmem:v5+s16+$0x0] =	vst.idx.msk vm1, v7;
	vm1 =	vle.s32 v12, s30  }
0x10b: {  	v7 =	vmov v5;
	v5 =	vmov v6;
	vm2 =	vmmov vm1;
	s11 =	smov.u32 s30  }
.LBB2_14:
0x10c: {  	_ =	sdelay $0x3  }
0x10d: {  	s0 =	sand.u32 $0x3FF, s11  }
0x10e: {  	[tilespmem:v7+s17+$0x0] =	vst.idx.msk @p0 vm0, v1;
	v6 =	vor.u32 s0, v3  }
0x10f: {  	[tilespmem:v5+s16+$0x0] =	vst.idx.msk vm2, v6  }
0x110: {  	vm1 =	vmmov vm2;
	[tilespmem:v5+s17+$0x0] =	vst.idx.msk vm2, v1  }
.LBB2_15:
0x111: {  	s0 =	sshll.u32 s10, $0x9  }
0x112: {  	s11 =	sshra.s32 s0, $0x9  }
0x113: {  	p0 =	slt.s32 s11, $0x1  }
.Ltmp12:
0x114: {  	_ = 	snop;
	(pc) =	sbr.rel @p0 .LBB2_19-.Ltmp12, $1  }
0x115: {  	_ =	sdelay $0x3  }
0x116: {  	p0 =	sne.s32 s11, $0x1  }
.Ltmp13:
0x117: {  	_ = 	snop;
	(pc) =	sbr.rel @!p0 .LBB2_18-.Ltmp13, $4  }
0x118: {  	s0 =	simm.s32 $0x6200;
	s10 =	simm.s32 $0x5000  }
0x119: {  	[spmem:s2] =	stream.indirect.scatter.add.f32 [tilespmem:s0], [sflag:$0x5], $0x1, s10, s18, $0xb8;
	[tilespmem:$0x1F600] =	vst v63  }
0x11a: {  	_ =	swait.ge [sflag:s9], $0x200  }
0x11b: {  	s11 =	sadd.s32 $0xFFFFFFFF, s11;
	[sflag:s9] =	ssyncset.done $0x0  }
.LBB2_17:
0x11c: {  	[sflag:s9] =	ssyncadd.s32 $0xFFFFFE00  }
0x11d: {  	s0 =	sadd.s32 $0x200, s0;
	s10 =	sadd.s32 $0x200, s10;
	p0 =	sne.s32 s11, $0x1  }
.Ltmp14:
0x11e: {  	s11 =	sadd.s32 $0xFFFFFFFF, s11;
	(pc) =	sbr.rel @p0 .LBB2_17-.Ltmp14, $4  }
0x11f: {  	_ = 	snop  }
0x120: {  	[spmem:s2] =	stream.indirect.scatter.add.f32 [tilespmem:s0], [sflag:$0x5], $0x1, s10, s18, $0xb8;
	[tilespmem:$0x1F600] =	vst v63  }
0x121: {  	_ =	swait.ge [sflag:s9], $0x200  }
0x122: {  	[sflag:s9] =	ssyncset.done $0x0  }
.LBB2_18:
0x123: {  	[sflag:s9] =	ssyncadd.s32 $0xFFFFFE00  }
.LBB2_19:
0x124: {  	_ =	swait.ge [sflag:s19], $0x1000  }
0x125: {  	[sflag:s19] =	ssyncset.done $0x0  }
0x126: {  	p0 =	sgt.u32 s28, $0x16;
	[sflag:s19] =	ssyncadd.s32 $0xFFFFF000  }
0x127: {  	s0 =	sadd.s32 @!p0 s29, s26;
	_ =	swait.ge [sflag:s20], $0x1000  }
0x128: {  	s0 =	sshrl.u32 @!p0 s0, $0x3;
	[sflag:s20] =	ssyncset.done $0x0  }
0x129: {  	s3 =	simm.s32 @!p0 $0x0;
	s1 =	sadd.s32 @!p0 s7, s0;
	[sflag:s20] =	ssyncadd.s32 $0xFFFFF000  }
0x12a: {  	[tilespmem:s3], [sflag:$0x1] =	stream.linear.gather @!p0 [hbm4b:s1+s3], $0x1000, $0x38;
	[tilespmem:$0x1F600] =	vst v63  }
0x12b: {  	s10 =	simm.s32 $0x1020;
	s0 =	sadd.s32 @!p0 s6, s0;
	s1 =	simm.s32 @!p0 $0x2000  }
0x12c: {  	[tilespmem:s1], [sflag:$0x3] =	stream.linear.gather @!p0 [hbm4b:s0+s3], $0x1000, $0x38;
	[tilespmem:$0x1F600] =	vst v63  }
0x12d: {  	v6 =	vld [tilespmem:s10+$0x10]  }
0x12e: {  	v5 =	vld [tilespmem:s10+$0xFFFFFFE0]  }
0x12f: {  	v9 =	vimm.s32 $0x0;
	v7 =	vld [tilespmem:s10+$0xFFFFFFF0]  }
0x130: {  	s31 =	simm.s32 $0x1060;
	v10 =	vshll.u32 v9, $0x4;
	v8 =	vld [tilespmem:s10+$0x0]  }
0x131: {  	v16 =	vor.u32 v0, v10;
	v10 =	vld [tilespmem:s31+$0xFFFFFFF0];
	_ =	sdelay $0x3  }
0x132: {  	v11 =	vsub.s32 v5, v4;
	v5 =	vsub.s32 v7, v4;
	v15 =	vsub.s32 v6, v4  }
0x133: {  	s11 =	simm.s32 $0x3020;
	v17 =	vsub.s32 v8, v4;
	v10 =	vsub.s32 v10, v4;
	vm2 =	vlt.u32 v11, $0x180000  }
0x134: {  	v12 =	vld [tilespmem:s11+$0xFFFFFFE0];
	vm0 =	vlt.u32 v5, $0x180000;
	vm1 =	vlt.u32 v17, $0x180000;
	v6 =	vsel vm2, $0x1, v2  }
0x135: {  	v13 =	vld [tilespmem:s31+$0xFFFFFFE0];
	vm5 =	vlt.u32 v15, $0x180000;
	v7 =	vsel vm0, $0x1, v2;
	v6 =	vadd.s32 v6, v9  }
0x136: {  	v14 =	vld [tilespmem:s31+$0x10];
	vm3 =	vlt.u32 v10, $0x180000;
	v8 =	vsel vm1, $0x1, v2;
	v7 =	vadd.s32 v7, v6  }
0x137: {  	v18 =	vld [tilespmem:s31+$0x0];
	vm6 =	vmmov vm1;
	v8 =	vadd.s32 v8, v7;
	v7 =	vshll.u32 v7, $0x4  }
0x138: {  	vm1 =	vmmov vm0;
	v19 =	vshll.u32 v8, $0x4;
	v22 =	vor.u32 v0, v7  }
0x139: {  	v21 =	vld [tilespmem:s11+$0x10];
	v9 =	vsel vm5, $0x1, v2;
	v6 =	vshll.u32 v6, $0x4;
	v19 =	vor.u32 v0, v19  }
0x13a: {  	s29 =	simm.s32 $0x3060;
	v23 =	vld [tilespmem:s11+$0x0];
	v20 =	vadd.s32 v9, v8;
	v9 =	vor.u32 v0, v6;
	v7 =	vsub.s32 v13, v4  }
0x13b: {  	v13 =	vld [tilespmem:s29+$0xFFFFFFE0];
	v6 =	vsub.s32 v14, v4;
	v8 =	vshll.u32 v20, $0x4;
	[tilespmem:v16+s16+$0x0] =	vst.idx.msk vm2, v11;
	vm0 =	vlt.u32 v7, $0x180000  }
0x13c: {  	s30 =	simm.s32 $0x10A0;
	v14 =	vld [tilespmem:s11+$0xFFFFFFF0];
	v11 =	vsub.s32 v18, v4;
	v18 =	vsel vm3, $0x1, v2;
	[tilespmem:v16+s17+$0x0] =	vst.idx.msk vm2, v12;
	v16 =	vsel vm0, $0x1, v2  }
0x13d: {  	v8 =	vor.u32 v0, v8;
	v12 =	vld [tilespmem:s30+$0x10];
	vm4 =	vlt.u32 v11, $0x180000;
	v24 =	vadd.s32 v16, v20;
	[tilespmem:v22+s16+$0x0] =	vst.idx.msk vm6, v17  }
0x13e: {  	vm2 =	vlt.u32 v6, $0x180000;
	v16 =	vld [tilespmem:s30+$0xFFFFFFE0];
	v20 =	vsel vm4, $0x1, v2;
	[tilespmem:v19+s16+$0x0] =	vst.idx.msk vm5, v15;
	v15 =	vadd.s32 v18, v24  }
0x13f: {  	v25 =	vsel vm2, $0x1, v2;
	[tilespmem:v19+s17+$0x0] =	vst.idx.msk vm5, v21;
	v19 =	vld [tilespmem:s30+$0xFFFFFFF0];
	v18 =	vshll.u32 v15, $0x4;
	v15 =	vadd.s32 v20, v15  }
0x140: {  	s0 =	simm.s32 $0x80;
	s10 =	simm.s32 $0x3060;
	v17 =	vshll.u32 v24, $0x4;
	[tilespmem:v22+s17+$0x0] =	vst.idx.msk vm6, v23;
	v20 =	vld [tilespmem:s30+$0x0];
	v21 =	vshll.u32 v15, $0x4;
	v15 =	vadd.s32 v25, v15  }
.LBB2_20:
0x141: {  	v23 =	vor.u32 v0, v18  }
0x142: {  	s0 =	sadd.s32 $0x40, s0;
	v22 =	vshll.u32 v15, $0x4;
	v18 =	vor.u32 v0, v21;
	[tilespmem:v9+s16+$0x0] =	vst.idx.msk vm1, v5;
	v5 =	vmovc v10;
	vm5 =	vmmov vm4  }
0x143: {  	s10 =	sadd.s32 $0x40, s10;
	p0 =	slt.u32 s0, $0xFC0;
	v21 =	vor.u32 v0, v22;
	v22 =	vld [tilespmem:s29+$0x10];
	[tilespmem:v9+s17+$0x0] =	vst.idx.msk vm1, v14;
	v9 =	vor.u32 v0, v17;
	vm1 =	vmmov vm3  }
0x144: {  	v17 =	vld [tilespmem:s10+$0xFFFFFFE0];
	[tilespmem:v8+s16+$0x0] =	vst.idx.msk vm0, v7;
	v7 =	vsub.s32 v16, v4  }
0x145: {  	v16 =	vsub.s32 v12, v4;
	v10 =	vsub.s32 v19, v4;
	[tilespmem:v8+s17+$0x0] =	vst.idx.msk vm0, v13;
	vm0 =	vlt.u32 v7, $0x180000;
	v24 =	vld [tilespmem:s29+$0x0]  }
.Ltmp15:
0x146: {  	s30 =	sadd.s32 $0x40, s30;
	v8 =	vmovc v21;
	v13 =	vsel vm0, $0x1, v2;
	vm3 =	vlt.u32 v10, $0x180000;
	v25 =	vsub.s32 v20, v4;
	v14 =	vld [tilespmem:s29+$0xFFFFFFF0];
	s29 =	smov.u32 s10;
	(pc) =	sbr.rel @p0 .LBB2_20-.Ltmp15, $4  }
0x147: {  	v12 =	vld [tilespmem:s30+$0x10];
	v15 =	vadd.s32 v13, v15;
	v27 =	vsel vm3, $0x1, v2;
	vm4 =	vlt.u32 v25, $0x180000;
	[tilespmem:v18+s16+$0x0] =	vst.idx.msk vm2, v6;
	v6 =	vmovc v16  }
0x148: {  	v16 =	vld [tilespmem:s30+$0xFFFFFFE0];
	v21 =	vadd.s32 v27, v15;
	v20 =	vsel vm4, $0x1, v2;
	[tilespmem:v18+s17+$0x0] =	vst.idx.msk vm2, v22;
	vm2 =	vlt.u32 v6, $0x180000  }
0x149: {  	v19 =	vld [tilespmem:s30+$0xFFFFFFF0];
	v18 =	vshll.u32 v21, $0x4;
	v22 =	vadd.s32 v20, v21;
	v26 =	vsel vm2, $0x1, v2;
	[tilespmem:v23+s16+$0x0] =	vst.idx.msk vm5, v11;
	v13 =	vmovc v17  }
0x14a: {  	v17 =	vshll.u32 v15, $0x4;
	v11 =	vmovc v25;
	v20 =	vld [tilespmem:s30+$0x0];
	v21 =	vshll.u32 v22, $0x4;
	v15 =	vadd.s32 v26, v22;
	[tilespmem:v23+s17+$0x0] =	vst.idx.msk vm5, v24  }
0x14b: {  	_ =	sdelay $0x1  }
0x14c: {  	v16 =	vsub.s32 v16, v4  }
0x14d: {  	v22 =	vsub.s32 v12, v4;
	vm5 =	vlt.u32 v16, $0x180000;
	v19 =	vsub.s32 v19, v4  }
0x14e: {  	v12 =	vsel vm5, $0x1, v2;
	vm7 =	vlt.u32 v19, $0x180000;
	v20 =	vsub.s32 v20, v4  }
0x14f: {  	v23 =	vadd.s32 v12, v15;
	v12 =	vsel vm7, $0x1, v2;
	vm8 =	vlt.u32 v20, $0x180000  }
0x150: {  	vm6 =	vlt.u32 v22, $0x180000;
	v24 =	vadd.s32 v12, v23;
	v12 =	vsel vm8, $0x1, v2  }
0x151: {  	v25 =	vadd.s32 v12, v24;
	v12 =	vsel vm6, $0x1, v2  }
0x152: {  	v12 =	vadd.s32 v12, v25  }
0x153: {  	v26 =	vxor.u32 $0x80000000, v12  }
0x154: {  	(xrf0) =	vmax.scan.msk.u32 $0xffff, v26;
	_ =	sdelay $0x5  }
0x155: {  	v26, _, _ =	vpop (xrf0)  }
0x156: {  	(v2sf) =	vpush v26, $0xF;
	_ =	sdelay $0x9  }
0x157: {  	v21 =	vor.u32 v0, v21  }
0x158: {  	[tilespmem:v9+s16+$0x0] =	vst.idx.msk vm1, v5;
	v5 =	vld [tilespmem:s29+$0x10]  }
0x159: {  	vm4 =	vmmov vm4;
	[tilespmem:v8+s16+$0x0] =	vst.idx.msk vm0, v7;
	v59 =	vor.u32 v0, v17  }
0x15a: {  	v58 =	vor.u32 v0, v18;
	[tilespmem:v9+s17+$0x0] =	vst.idx.msk vm1, v14  }
0x15b: {  	v7 =	vld [tilespmem:s29+$0x0];
	[tilespmem:v8+s17+$0x0] =	vst.idx.msk vm0, v13;
	v13 =	vshll.u32 v15, $0x4  }
0x15c: {  	s0 =	sadd.s32 $0x40, s10;
	v13 =	vor.u32 v0, v13;
	[tilespmem:v21+s16+$0x0] =	vst.idx.msk vm2, v6;
	s1 =	spop (v2sf)  }
0x15d: {  	[tilespmem:v21+s17+$0x0] =	vst.idx.msk vm2, v5;
	v5 =	vld [tilespmem:s0+$0xFFFFFFE0];
	s1 =	sadd.s32 $0x8000001F, s1  }
0x15e: {  	v6 =	vld [tilespmem:s29+$0xFFFFFFF0];
	[tilespmem:v59+s16+$0x0] =	vst.idx.msk vm3, v10;
	s3 =	sand.u32 $0x1F, s1  }
0x15f: {  	[tilespmem:v58+s16+$0x0] =	vst.idx.msk vm4, v11;
	v61 =	vshll.u32 v24, $0x4;
	s30 =	sshra.s32 s1, $0x1F;
	p1 =	slt.s32 s1, $0x1;
	p0 =	sne.s32 s3, $0x0  }
0x160: {  	v62 =	vld [tilespmem:s0+$0x10];
	[tilespmem:v58+s17+$0x0] =	vst.idx.msk vm4, v7;
	v60 =	vshll.u32 v25, $0x4;
	v9 =	vor.u32 v0, v61;
	s3 =	sshrl.u32 s30, $0x1B;
	p0 =	por !p1, !p0  }
0x161: {  	v63 =	vld [tilespmem:s0+$0x0];
	v7 =	vor.u32 v0, v60;
	[tilespmem:v13+s16+$0x0] =	vst.idx.msk vm5, v16;
	s31 =	sadd.s32 s3, s1;
	s1 =	simm.s32 $0x1;
	p0 =	por !p0, !p0  }
0x162: {  	[tilespmem:v13+s17+$0x0] =	vst.idx.msk vm5, v5;
	v5 =	vld [tilespmem:s0+$0xFFFFFFF0];
	s0 =	sshra.s32 s31, $0x5;
	s1 =	simm.s32 @!p0 $0x0  }
0x163: {  	[tilespmem:v59+s17+$0x0] =	vst.idx.msk vm3, v6;
	v6 =	vshll.u32 v23, $0x4;
	s10 =	ssub.s32 s0, s1  }
0x164: {  	v6 =	vor.u32 v0, v6;
	s1 =	sshll.u32 s10, $0x5  }
0x165: {  	[tilespmem:v9+s16+$0x0] =	vst.idx.msk vm8, v20;
	p1 =	slt.s32 s1, $0x1  }
.Ltmp16:
0x166: {  	[tilespmem:v7+s16+$0x0] =	vst.idx.msk vm6, v22;
	(pc) =	sbr.rel @p1 .LBB2_29-.Ltmp16, $4  }
0x167: {  	[tilespmem:v9+s17+$0x0] =	vst.idx.msk vm8, v63  }
0x168: {  	[tilespmem:v7+s17+$0x0] =	vst.idx.msk vm6, v62  }
0x169: {  	[tilespmem:v6+s16+$0x0] =	vst.idx.msk vm7, v19  }
0x16a: {  	vm14 =	vmmov vm3;
	vm1 =	vmmov vm7;
	vm15 =	vmmov vm8;
	[tilespmem:v6+s17+$0x0] =	vst.idx.msk vm7, v5  }
0x16b: {  	s1 =	simm.s32 $0xFFFFFFFF  }
0x16c: {  	s1 =	simm.s32 @!p0 $0x0  }
0x16d: {  	s0 =	sshll.u32 s0, $0x5;
	s1 =	sshll.u32 s1, $0x5  }
0x16e: {  	s0 =	sadd.s32 s1, s0  }
0x16f: {  	p1 =	sne.s32 s0, $0x1  }
.Ltmp17:
0x170: {  	s11 =	simm.s32 $0x0;
	(pc) =	sbr.rel @!p1 .LBB2_23-.Ltmp17, $2  }
0x171: {  	v5 =	vor.u32 s11, v0;
	_ =	sdelay $0x2  }
0x172: {  	s29 =	simm.s32 $0x1;
	s30 =	simm.s32 $0x10;
	vm2 =	vle.s32 v12, s11;
	p0 =	por $0x0, $0x0  }
0x173: {  	p1 =	sne.s32 s0, $0x2  }
.Ltmp18:
0x174: {  	vm0 =	vmmov vm2;
	(pc) =	sbr.rel @!p1 .LBB2_25-.Ltmp18, $4  }
0x175: {  	_ = 	snop  }
0x176: {  	s1 =	sand.u32 $0x3FF, s11  }
0x177: {  	v7 =	vor.u32 s1, v3  }
0x178: {  	v6 =	vor.u32 s30, v0;
	s30 =	simm.s32 $0x2;
	vm1 =	vle.s32 v12, s29;
	s11 =	simm.s32 $0x20;
	p0 =	por $0x1, $0x1;
	[tilespmem:v5+s16+$0x0] =	vst.idx.msk vm2, v7  }
.LBB2_26:
0x179: {  	s1 =	smov.u32 s30;
	s30 =	sadd.s32 $0x1, s30  }
0x17a: {  	[tilespmem:v5+s17+$0x0] =	vst.idx.msk vm0, v1;
	v5 =	vmov v6;
	v6 =	vor.u32 s11, v0;
	vm0 =	vmmov vm1;
	p1 =	sne.s32 s0, s30  }
.Ltmp19:
0x17b: {  	(pc) =	sbr.rel @p1 .LBB2_26-.Ltmp19, $4  }
0x17c: {  	_ = 	snop  }
0x17d: {  	s3 =	sand.u32 $0x3FF, s29;
	s29 =	smov.u32 s1  }
0x17e: {  	v7 =	vor.u32 s3, v3  }
0x17f: {  	s11 =	sadd.s32 $0x10, s11;
	[tilespmem:v5+s16+$0x0] =	vst.idx.msk vm1, v7;
	vm1 =	vle.s32 v12, s29  }
0x180: {  	v7 =	vmov v5;
	v5 =	vmov v6;
	vm2 =	vmmov vm1;
	s11 =	smov.u32 s29  }
.LBB2_28:
0x181: {  	_ =	sdelay $0x3  }
0x182: {  	s0 =	sand.u32 $0x3FF, s11  }
0x183: {  	[tilespmem:v7+s17+$0x0] =	vst.idx.msk @p0 vm0, v1;
	v6 =	vor.u32 s0, v3  }
0x184: {  	[tilespmem:v5+s16+$0x0] =	vst.idx.msk vm2, v6  }
0x185: {  	vm1 =	vmmov vm2;
	[tilespmem:v5+s17+$0x0] =	vst.idx.msk vm2, v1  }
.LBB2_29:
0x186: {  	s0 =	sshll.u32 s10, $0x9  }
0x187: {  	s11 =	sshra.s32 s0, $0x9  }
0x188: {  	p0 =	slt.s32 s11, $0x1  }
.Ltmp20:
0x189: {  	_ = 	snop;
	(pc) =	sbr.rel @p0 .LBB2_33-.Ltmp20, $1  }
0x18a: {  	_ =	sdelay $0x3  }
0x18b: {  	p0 =	sne.s32 s11, $0x1  }
.Ltmp21:
0x18c: {  	_ = 	snop;
	(pc) =	sbr.rel @!p0 .LBB2_32-.Ltmp21, $4  }
0x18d: {  	s0 =	simm.s32 $0x6200;
	s10 =	simm.s32 $0x5000  }
0x18e: {  	[spmem:s2] =	stream.indirect.scatter.add.f32 [tilespmem:s0], [sflag:$0x5], $0x1, s10, s18, $0xb8;
	[tilespmem:$0x1F600] =	vst v63  }
0x18f: {  	_ =	swait.ge [sflag:s9], $0x200  }
0x190: {  	s11 =	sadd.s32 $0xFFFFFFFF, s11;
	[sflag:s9] =	ssyncset.done $0x0  }
.LBB2_31:
0x191: {  	[sflag:s9] =	ssyncadd.s32 $0xFFFFFE00  }
0x192: {  	s0 =	sadd.s32 $0x200, s0;
	s10 =	sadd.s32 $0x200, s10;
	p0 =	sne.s32 s11, $0x1  }
.Ltmp22:
0x193: {  	s11 =	sadd.s32 $0xFFFFFFFF, s11;
	(pc) =	sbr.rel @p0 .LBB2_31-.Ltmp22, $4  }
0x194: {  	_ = 	snop  }
0x195: {  	[spmem:s2] =	stream.indirect.scatter.add.f32 [tilespmem:s0], [sflag:$0x5], $0x1, s10, s18, $0xb8;
	[tilespmem:$0x1F600] =	vst v63  }
0x196: {  	_ =	swait.ge [sflag:s9], $0x200  }
0x197: {  	[sflag:s9] =	ssyncset.done $0x0  }
.Ltmp23:
0x198: {  	_ = 	snop;
	(pc) =	sbr.rel .LBB2_32-.Ltmp23, $1  }
0x199: {  	_ =	sdelay $0x3  }
.LBB2_9:
.Ltmp24:
0x19a: {  	(pc) =	sbr.rel .LBB2_14-.Ltmp24, $2  }
0x19b: {  	_ =	sdelay $0x2  }
0x19c: {  	_ = 	snop  }
.LBB2_23:
.Ltmp25:
0x19d: {  	(pc) =	sbr.rel .LBB2_28-.Ltmp25, $2  }
0x19e: {  	_ =	sdelay $0x2  }
0x19f: {  	_ = 	snop  }
.LBB2_11:
.Ltmp26:
0x1a0: {  	(pc) =	sbr.rel .LBB2_14-.Ltmp26, $2  }
0x1a1: {  	_ =	sdelay $0x2  }
0x1a2: {  	v7 =	vmov v5;
	v5 =	vmov v6;
	vm2 =	vmmov vm1;
	s11 =	simm.s32 $0x1  }
.LBB2_25:
.Ltmp27:
0x1a3: {  	(pc) =	sbr.rel .LBB2_28-.Ltmp27, $2  }
0x1a4: {  	_ =	sdelay $0x2  }
0x1a5: {  	v7 =	vmov v5;
	v5 =	vmov v6;
	vm2 =	vmmov vm1;
	s11 =	simm.s32 $0x1  }
.LBB2_36:
0x1a6: {  	_ =	sfence.sel $0x180000  }
0x1a7: {  	[bflag:$0x0] =	sbarrier.arrive $0xFFFF  }
0x1a8: {  	_ =	strace $0x90000047  }
0x1a9: {  	s0 =	stileid.u32;
	[bflag:$0x2] =	sbarrier.arrive $0xFFFF  }
0x1aa: {  	p0 =	sne.s32 s0, $0x0;
	s0 =	rddreg [dreg:$0x3]  }
0x1ab: {  	s0 =	sadd.s32 @!p0 $0x100000, s0  }
0x1ac: {  	[sflag:s0] =	ssyncadd.tile.s32 @!p0 $0x1;
	_ =	shalt  }
.Lfunc_end2:
_tile_overlayer_lowered:
.L_overlay_start_2:
0x1ad: {  	(tag) =	ssettag $0x2  }
0x1ae: {  	s0 =	rddreg [dreg:$0x0];
	s2 =	stileid.u32  }
0x1af: {  	s1 =	rddreg [dreg:$0x1];
	p0 =	sne.s32 s2, $0x0  }
0x1b0: {  	s3 =	rddreg [dreg:$0x2];
	[bflag:$0x3] =	sbarrier.arrive $0xFFFF;
	s2 =	simm.s32 @!p0 $0x1C05  }
0x1b1: {  	[timem:s3], [sflag:s2] =	dma.local @!p0 [hbm:s0], s1  }
0x1b2: {  	s0 =	simm.s32 @!p0 $0x5  }
0x1b3: {  	_ =	swait.ge @!p0 [sflag:s0], s1  }
0x1b4: {  	s1 =	ssub.s32 @!p0 $0x0, s1;
	[sflag:s0] =	ssyncset.done @!p0 $0x0  }
0x1b5: {  	[sflag:s0] =	ssyncadd.s32 @!p0 s1  }
0x1b6: {  	[bflag:$0x3] =	sbarrier.arrive $0xFFFF  }
0x1b7: {  	_ =	shalt  }

// kernel: sparse-core-data-format-call.cloned.1.call-start
scs
called_computation_lowered:
.L_overlay_start_0:
0x0: {  	s2 =	sld [smem:$0x3FD9]  }
0x1: {  	s3 =	sld [smem:$0x3FFE];
	_ =	sdelay $0x1  }
0x2: {  	s1 =	srdreg.scid  }
0x3: {  	s0 =	sand.u32 $0x1, s1  }
0x4: {  	s18 =	sshll.u32 s0, $0xA;
	s2 =	sadd.s32 s3, s2  }
0x5: {  	s2 =	sadd.s32 s2, s18  }
0x6: {  	[smem:$0x3FC6] =	sst s2  }
0x7: {  	_ = 	snop  }
0x8: {  	s2 =	sld [smem:$0x3FD0];
	(tm) =	ssettm $0x1  }
0x9: {  	s19 =	sld [smem:$0x3FFB];
	_ =	sdelay $0x3  }
0xa: {  	_ =	strace s19  }
0xb: {  	s3 =	sld [smem:$0x3FFC];
	_ =	sdelay $0x3  }
0xc: {  	_ =	strace s3  }
0xd: {  	s3 =	sld [smem:$0x3FFD];
	_ =	sdelay $0x3  }
0xe: {  	_ =	strace s3  }
0xf: {  	_ =	strace $0x8FFFFFFF  }
0x10: {  	s20 =	sld [smem:$0x3FDB];
	_ =	sdelay $0x1  }
0x11: {  	s4 =	simm.s32 $_scs_section_size  }
0x12: {  	s5 =	simm.s32 $_size__tile_overlayer_lowered;
	s6 =	simm.s32 $_tile_overlayer_lowered  }
0x13: {  	s23 =	simm.s32 $0x1BFF;
	s22 =	sshll.u32 s6, $0x1;
	s3 =	sadd.s32 s4, s20  }
0x14: {  	s7 =	simm.s32 $0x0;
	s21 =	sshll.u32 s5, $0x1;
	s5 =	sadd.s32 s22, s3  }
0x15: {  	[timem:s7], [sflag:s23] =	dma.local [hbm:s5], s21  }
0x16: {  	_ =	swait.ge [sflag:s23], s21  }
0x17: {  	s4 =	ssub.s32 $0x0, s21;
	[sflag:s23] =	ssyncset.done $0x0  }
0x18: {  	[sflag:s23] =	ssyncadd.s32 s4;
	_ =	sdelay $0x1  }
0x19: {  	s24 =	simm.s32 $0x1B8B  }
0x1a: {  	_ =	swait.ge [sflag:s24], $0x1  }
0x1b: {  	[sflag:s24] =	ssyncset.done $0x0  }
0x1c: {  	s26 =	simm.s32 $0x1B8E;
	s25 =	sld [smem:$0x3FFE];
	[sflag:s24] =	ssyncadd.s32 $0xFFFFFFFF  }
0x1d: {  	s27 =	simm.s32 $execute0_lowered;
	[smem:$0x3FD2] =	sst s26  }
0x1e: {  	s5 =	sshll.u32 s27, $0x1;
	_ =	strace $0x80000049;
	[dreg:$0x1] =	wrdreg $0xFFFFFFFF  }
0x1f: {  	s28 =	simm.s32 $_size_execute0_lowered;
	s3 =	sadd.s32 s3, s5;
	[dreg:$0x0] =	wrdreg $0x0  }
0x20: {  	s5 =	sshll.u32 s28, $0x1;
	[dreg:$0x2] =	wrdreg s3  }
0x21: {  	[dreg:$0x3] =	wrdreg s5  }
0x22: {  	[dreg:$0x4] =	wrdreg $0xC0  }
0x23: {  	_ =	task [dreg:s7], $0x5FFFF  }
0x24: {  	[dreg:$0x1] =	wrdreg $0xFFFFFFFF  }
0x25: {  	[dreg:$0x0] =	wrdreg $0x60  }
0x26: {  	[dreg:$0x2] =	wrdreg s25  }
0x27: {  	[dreg:$0x3] =	wrdreg s2  }
0x28: {  	[dreg:$0x4] =	wrdreg $0x9  }
0x29: {  	_ =	task.clear_ibuf [dreg:s7], $0x5FFFF;
	_ =	strace $0x90000049  }
0x2a: {  	s29 =	simm.s32 $0x9;
	_ =	strace $0x8000004B  }
0x2b: {  	_ =	swait.ge [sflag:s29], $0x1  }
0x2c: {  	[sflag:s29] =	ssyncadd.s32 $0xFFFFFFFF  }
0x2d: {  	_ =	strace $0x9000004B  }
0x2e: {  	_ =	sfence  }
0x2f: {  	s30 =	sld [smem:$0x0];
	_ =	sdelay $0x2  }
0x30: {  	s31 =	sshll.u32 s1, $0xD;
	s1 =	sshrl.u32 s1, $0x2  }
0x31: {  	s3 =	sand.u32 $0x4000, s31;
	s1 =	sadd.s32 s1, s30  }
0x32: {  	s0 =	sor.u32 s3, s0;
	s1 =	sshll.u32 s1, $0x11  }
0x33: {  	s0 =	sor.u32 s1, s0  }
0x34: {  	s0 =	sadd.s32 $0x8F2B, s0  }
0x35: {  	[sflag:s0] =	ssyncadd.remote.s32 $0x1  }
0x36: {  	_ =	sfence.sel $0xFFFF  }
0x37: {  	[dreg:$0x0] =	wrdreg $0xFFFFFFFF;
	(pc) =	sbr.abs _section_cstart, $3  }
0x38: {  	[dreg:$0x1] =	wrdreg $0xFFFFFFFF  }
0x39: {  	_ =	task.clear_ibuf [dreg:s7], $0x2FFFF;
	_ =	strace $0x9FFFFFFF  }
0x3a: {  	(tm) =	ssettm $0x7FFFFFFF  }
0x3b: {  	_ =	shalt  }
tec
execute0_lowered:
.L_overlay_start_1:
0x0: {  	(tag) =	ssettag $0x1  }
0x1: {  	s3 =	rddreg [dreg:$0x0]  }
0x2: {  	s2 =	rddreg [dreg:$0x1];
	s1 =	srdreg.scid;
	_ =	strace $0x8000004A  }
0x3: {  	s7 =	simm.s32 $0x2;
	s18 =	simm.s32 $0x0;
	p0 =	por $0x0, $0x0  }
0x4: {  	s17 =	simm.s32 $0x0;
	s19 =	simm.s32 $0x0;
	s20 =	simm.s32 $0x0  }
0x5: {  	s8 =	simm.s32 $0x0;
	s9 =	simm.s32 $0x0;
	s11 =	simm.s32 $0x0  }
0x6: {  	s12 =	simm.s32 $0x0;
	s13 =	simm.s32 $0x0;
	s14 =	simm.s32 $0x0  }
.Ltmp0:
0x7: {  	s10 =	simm.s32 $0x0;
	s4 =	sshll.u32 s1, $0x4;
	(pc) =	sbr.rel .LBB1_1-.Ltmp0, $4  }
0x8: {  	s1 =	stileid.u32;
	s3 =	sadd.s32 $0x800, s3;
	s4 =	sand.u32 $0x10, s4  }
0x9: {  	s5 =	sand.u32 $0x3, s1;
	s6 =	sor.u32 s1, s4;
	s4 =	simm.s32 $0x1  }
0xa: {  	s16 =	smov.u32 s5;
	[sflag:s4] =	ssyncpa.u1 $0x0;
	s6 =	sshrl.u32 s6, $0x2  }
0xb: {  	[sflag:s7] =	ssyncpa.u1 $0x0;
	s7 =	simm.s32 $0x800;
	s15 =	smov.u32 s6  }
.LBB1_5:
0xc: {  	p1 =	slt.u32 s10, $0x2  }
0xd: {  	s0 =	smov.u32 s20;
	s23 =	smov.u32 s15;
	s24 =	smov.u32 s16  }
0xe: {  	s10 =	sadd.s32 $0x1, s10;
	p2 =	sgt.s32 @!p1 s20, $0x3;
	s21 =	sshra.s32 @!p1 s20, $0x1F  }
0xf: {  	s22 =	sshra.s32 @!p1 s19, $0x1F;
	p4 =	sgt.s32 @!p1 s17, $0x80;
	p2 =	por !p2, p1  }
0x10: {  	s20 =	sand.u32 @!p1 s21, s20;
	s21 =	smov.u32 s19;
	s0 =	simm.s32 @p2 $0x3  }
0x11: {  	p2 =	sgt.s32 @!p1 s19, $0xFF;
	s19 =	sand.u32 @!p1 s22, s19;
	s0 =	ssub.s32 @!p1 s0, s20  }
0x12: {  	s22 =	smov.u32 s14;
	p2 =	por !p2, p1;
	s20 =	sadd.s32 @!p1 $0xFFFFFFFD, s0  }
0x13: {  	s21 =	simm.s32 @p2 $0xFF;
	s0 =	ssub.s32 @!p1 $0x4, s0;
	p3 =	sgt.s32 @!p1 s20, $0x0  }
0x14: {  	s19 =	ssub.s32 @!p1 s21, s19;
	s21 =	smov.u32 s18;
	p2 =	por !p3, p1  }
0x15: {  	s20 =	sadd.s32 @!p1 $0xFFFFFF01, s19;
	s19 =	ssub.s32 @!p1 $0x100, s19;
	s0 =	simm.s32 @!p2 $0x0  }
0x16: {  	p2 =	sgt.s32 @!p1 s18, $0x40;
	p3 =	sgt.s32 @!p1 s20, $0x0;
	s20 =	sshra.s32 @!p1 s18, $0x1F  }
0x17: {  	p2 =	por !p2, p1;
	s18 =	sand.u32 @!p1 s20, s18;
	s20 =	sshra.s32 @!p1 s17, $0x1F  }
0x18: {  	p3 =	por !p3, p1;
	s21 =	simm.s32 @p2 $0x40;
	p2 =	por !p4, p1  }
0x19: {  	s20 =	sand.u32 @!p1 s20, s17;
	s19 =	simm.s32 @!p3 $0x0;
	s17 =	simm.s32 @p2 $0x80  }
0x1a: {  	s18 =	ssub.s32 @!p1 s21, s18;
	s0 =	smul.u32 @!p1 s0, s19;
	s17 =	ssub.s32 @!p1 s17, s20  }
0x1b: {  	s21 =	sadd.s32 $0x80, s13;
	s19 =	sadd.s32 @!p1 $0xFFFFFFC0, s18;
	s20 =	sadd.s32 @!p1 $0xFFFFFF80, s17  }
0x1c: {  	s18 =	ssub.s32 @!p1 $0xC0, s18;
	p2 =	sgt.s32 @!p1 s19, $0x7F;
	p3 =	sgt.s32 @!p1 s20, $0x7F  }
0x1d: {  	s17 =	ssub.s32 @!p1 $0x100, s17;
	s19 =	sadd.s32 $0x80, s14;
	p3 =	por !p3, p1  }
0x1e: {  	p2 =	por !p2, p1;
	s17 =	simm.s32 @!p3 $0x0;
	p3 =	sgt.s32 s21, $0xBF  }
0x1f: {  	p0 =	por !p0, !p0;
	s18 =	simm.s32 @!p2 $0x0;
	s22 =	smov.u32 @p3 s19  }
0x20: {  	s0 =	smul.u32 @!p1 s17, s0;
	s17 =	sadd.s32 $0x8, s15;
	p2 =	sgt.s32 s22, $0xFF  }
0x21: {  	s25 =	simm.s32 @!p1 $0x2;
	s20 =	smov.u32 s12;
	s23 =	smov.u32 @p2 s17  }
0x22: {  	s21 =	simm.s32 @p3 $0x0;
	s17 =	sadd.s32 $0x4, s16;
	p3 =	sgt.s32 s23, $0xFF  }
0x23: {  	s12 =	smov.u32 s16;
	s19 =	smov.u32 s11;
	s24 =	smov.u32 @p3 s17  }
0x24: {  	s11 =	smov.u32 s15;
	s22 =	simm.s32 @p2 $0x0;
	p2 =	sgt.s32 s24, $0x3  }
0x25: {  	s0 =	smul.u32 @!p1 s18, s0;
	s24 =	smov.u32 @p2 s5;
	p2 =	sne.s32 s10, $0x82  }
.Ltmp1:
0x26: {  	s18 =	smov.u32 s8;
	s8 =	smov.u32 s13;
	(pc) =	sbr.rel @!p2 .LBB1_6-.Ltmp1, $4  }
0x27: {  	s13 =	smov.u32 s21;
	s0 =	sand.u32 @!p1 $0x3FFFFFFF, s0;
	s23 =	smov.u32 @p3 s6  }
0x28: {  	s17 =	smov.u32 s9;
	s9 =	smov.u32 s14;
	_ =	swait.ge @!p1 [sflag:s25], s0  }
0x29: {  	s14 =	smov.u32 s22;
	s0 =	ssub.s32 @!p1 $0x0, s0;
	[sflag:s25] =	ssyncset.done @!p1 $0x0  }
0x2a: {  	s15 =	smov.u32 s23;
	[sflag:s25] =	ssyncadd.s32 @!p1 s0;
	s16 =	smov.u32 s24  }
.LBB1_1:
0x2b: {  	p1 =	sgt.u32 s10, $0x7F  }
0x2c: {  	s21 =	sxor.u32 @!p1 $0xFFFFFFFF, s10;
	s22 =	sand.u32 @!p1 $0x78, s13;
	s23 =	sshll.u32 @!p1 s14, $0x8  }
0x2d: {  	s24 =	sshll.u32 @!p1 s13, $0x3;
	s25 =	sshll.u32 @!p1 s14, $0x7;
	s21 =	sshll.u32 @!p1 s21, $0xE  }
0x2e: {  	s23 =	sand.u32 @!p1 $0xF800, s23;
	s24 =	sand.u32 @!p1 $0xFC00, s24;
	s21 =	sand.u32 @!p1 $0x4000, s21  }
0x2f: {  	s23 =	sadd.s32 @!p1 s23, s24;
	s24 =	sand.u32 @!p1 $0x300, s25;
	s25 =	sand.u32 @!p1 $0x80, s25  }
0x30: {  	s23 =	sor.u32 @!p1 s24, s23;
	s22 =	sor.u32 @!p1 s22, s25;
	s24 =	sshll.u32 @!p1 s16, $0x15  }
0x31: {  	s25 =	sshll.u32 @!p1 s15, $0xD;
	s23 =	sshrl.u32 @!p1 s23, $0x3;
	s24 =	sadd.s32 @!p1 s3, s24  }
0x32: {  	s22 =	sshrl.u32 @!p1 s22, $0x3;
	s24 =	sadd.s32 @!p1 s25, s24;
	s25 =	sand.u32 @!p1 $0x7, s13  }
0x33: {  	s23 =	sand.u32 @!p1 $0x1FE0, s23;
	s22 =	sadd.s32 @!p1 s22, s24;
	s24 =	sshll.u32 @!p1 s25, $0x12  }
0x34: {  	s22 =	sadd.s32 @!p1 s23, s22;
	s23 =	sor.u32 @!p1 $0x400, s24;
	s24 =	simm.s32 @!p1 $0x800  }
0x35: {  	[tilespmem:s21], [sflag:$0x1] =	stream.strided.gather @!p1 [hbm4b:s22+s23], $0x4000, s24, s23, $0x38;
	[tilespmem:$0x10100] =	vst v63  }
0x36: {  	p1 =	seq.s32 s10, $0x0  }
0x37: {  	p2 =	seq.s32 @!p1 s10, $0x81  }
0x38: {  	p1 =	por p1, p2  }
.Ltmp2:
0x39: {  	_ = 	snop;
	(pc) =	sbr.rel @p1 .LBB1_5-.Ltmp2, $1  }
0x3a: {  	_ =	sdelay $0x3  }
0x3b: {  	s21 =	simm.s32 $0x1  }
0x3c: {  	_ =	swait.ge [sflag:s4], $0x4000;
	s21 =	simm.s32 @!p0 $0x0  }
0x3d: {  	[sflag:s4] =	ssyncset.done $0x0;
	s22 =	sshll.u32 s21, $0xE  }
0x3e: {  	[sflag:s4] =	ssyncadd.s32 $0xFFFFC000;
	s22 =	sor.u32 $0x40, s22  }
0x3f: {  	s21 =	smul.u32 $0x10200, s21;
	v0 =	vld [tilespmem:s22+$0x30]  }
0x40: {  	v1 =	vld [tilespmem:s22+$0xFFFFFFD0]  }
0x41: {  	s21 =	sshrl.u32 s21, $0x2;
	v5 =	vld [tilespmem:s22+$0xFFFFFFE0]  }
0x42: {  	v6 =	vld [tilespmem:s22+$0xFFFFFFF0];
	s24 =	sor.u32 $0x8000, s21  }
0x43: {  	s31 =	sand.u32 $0x1, s10;
	v4 =	vld [tilespmem:s22+$0x0];
	s23 =	sadd.s32 $0x0, s24  }
0x44: {  	v3 =	vld [tilespmem:s22+$0x10];
	s21 =	smul.u32 $0x10200, s31;
	[tilespmem:s23+$0x3870 ss:$0x81] =	vst.msk $0xffff, v0  }
0x45: {  	v2 =	vld [tilespmem:s22+$0x20];
	[tilespmem:s23+$0x810 ss:$0x81] =	vst.msk $0xffff, v1  }
0x46: {  	s21 =	sshrl.u32 s21, $0x2;
	v1 =	vld [tilespmem:s22+$0xFFFFFFC0];
	[tilespmem:s23+$0x1020 ss:$0x81] =	vst.msk $0xffff, v5;
	s22 =	sadd.s32 $0x80, s22  }
0x47: {  	s25 =	simm.s32 $0x4;
	s26 =	simm.s32 $0x8;
	s21 =	sor.u32 $0x8000, s21;
	[tilespmem:s23+$0x1830 ss:$0x81] =	vst.msk $0xffff, v6;
	v0 =	vld [tilespmem:s22+$0x30]  }
.LBB1_3:
0x48: {  	p1 =	sne.s32 s26, $0x1FC;
	v5 =	vld [tilespmem:s22+$0xFFFFFFD0];
	[tilespmem:s23+$0x2040 ss:$0x81] =	vst.msk $0xffff, v4  }
0x49: {  	v6 =	vld [tilespmem:s22+$0xFFFFFFE0];
	[tilespmem:s23+$0x2850 ss:$0x81] =	vst.msk $0xffff, v3  }
0x4a: {  	s27 =	sshra.s32 s25, $0x2;
	s25 =	smov.u32 s26;
	v7 =	vld [tilespmem:s22+$0xFFFFFFF0];
	[tilespmem:s23+$0x3060 ss:$0x81] =	vst.msk $0xffff, v2  }
.Ltmp3:
0x4b: {  	v4 =	vld [tilespmem:s22+$0x0];
	[tilespmem:s23+$0x0 ss:$0x81] =	vst.msk $0xffff, v1;
	s23 =	sadd.s32 s27, s24;
	(pc) =	sbr.rel @p1 .LBB1_3-.Ltmp3, $4  }
0x4c: {  	v3 =	vld [tilespmem:s22+$0x10];
	[tilespmem:s23+$0x3870 ss:$0x81] =	vst.msk $0xffff, v0  }
0x4d: {  	[tilespmem:s23+$0x810 ss:$0x81] =	vst.msk $0xffff, v5;
	v2 =	vld [tilespmem:s22+$0x20]  }
0x4e: {  	v1 =	vld [tilespmem:s22+$0xFFFFFFC0];
	[tilespmem:s23+$0x1020 ss:$0x81] =	vst.msk $0xffff, v6;
	s22 =	sadd.s32 $0x80, s22  }
0x4f: {  	s26 =	sadd.s32 $0x4, s26;
	v0 =	vld [tilespmem:s22+$0x30];
	[tilespmem:s23+$0x1830 ss:$0x81] =	vst.msk $0xffff, v7  }
0x50: {  	s26 =	sshll.u32 s8, $0x8  }
0x51: {  	s27 =	sshll.u32 s9, $0x3;
	s28 =	sshll.u32 s8, $0x7;
	s25 =	sshra.s32 s25, $0x2  }
0x52: {  	p1 =	sgt.s32 s12, $0x3;
	s31 =	sshra.s32 s12, $0x1F;
	s26 =	sand.u32 $0xFFFFF800, s26  }
0x53: {  	s27 =	sand.u32 $0xFFFFFC00, s27;
	s29 =	sand.u32 $0x300, s28;
	s24 =	sadd.s32 s25, s24  }
0x54: {  	s28 =	sand.u32 $0x80, s28;
	s26 =	sadd.s32 s27, s26;
	s27 =	sand.u32 s31, s12  }
0x55: {  	s30 =	sor.u32 s29, s26;
	s26 =	smov.u32 s12;
	s29 =	smov.u32 s11  }
0x56: {  	s25 =	sshrl.u32 s30, $0x8;
	s26 =	simm.s32 @!p1 $0x3;
	p1 =	sgt.s32 s11, $0xFF  }
0x57: {  	s30 =	sshra.s32 s11, $0x1F;
	s26 =	ssub.s32 s26, s27;
	s29 =	simm.s32 @!p1 $0xFF  }
0x58: {  	s0 =	sand.u32 s30, s11;
	s30 =	smulhi.u32 $0x1555556, s25;
	s31 =	sadd.s32 $0xFFFFFFFD, s26  }
0x59: {  	s27 =	ssub.s32 s29, s0;
	s26 =	ssub.s32 $0x4, s26;
	s0 =	sshra.s32 s9, $0x1F  }
0x5a: {  	p1 =	sgt.s32 s31, $0x0;
	s29 =	sadd.s32 $0xFFFFFF01, s27;
	s27 =	ssub.s32 $0x100, s27  }
0x5b: {  	s31 =	smov.u32 s8;
	s26 =	simm.s32 @p1 $0x0;
	p1 =	sgt.s32 s29, $0x0  }
0x5c: {  	s29 =	smov.u32 s9;
	s27 =	simm.s32 @p1 $0x0;
	p1 =	sgt.s32 s9, $0x80  }
0x5d: {  	v5 =	vld [tilespmem:s22+$0xFFFFFFD0];
	[tilespmem:s23+$0x2040 ss:$0x81] =	vst.msk $0xffff, v4;
	s26 =	smul.u32 s26, s27;
	s29 =	simm.s32 @!p1 $0x80;
	s27 =	sand.u32 s0, s9  }
0x5e: {  	v58 =	vld [tilespmem:s22+$0xFFFFFFE0];
	[tilespmem:s23+$0x2850 ss:$0x81] =	vst.msk $0xffff, v3;
	p1 =	sgt.s32 s8, $0x40;
	s0 =	sshra.s32 s8, $0x1F;
	s27 =	ssub.s32 s29, s27  }
0x5f: {  	v59 =	vld [tilespmem:s22+$0xFFFFFFF0];
	[tilespmem:s23+$0x3060 ss:$0x81] =	vst.msk $0xffff, v2;
	s31 =	simm.s32 @!p1 $0x40;
	s0 =	sand.u32 s0, s8;
	s29 =	sadd.s32 $0xFFFFFF80, s27  }
0x60: {  	v60 =	vld [tilespmem:s22+$0x0];
	[tilespmem:s23+$0x0 ss:$0x81] =	vst.msk $0xffff, v1;
	s0 =	ssub.s32 s31, s0;
	s23 =	ssub.s32 $0x100, s27;
	s27 =	sand.u32 $0x78, s9  }
0x61: {  	v61 =	vld [tilespmem:s22+$0x10];
	[tilespmem:s24+$0x3870 ss:$0x81] =	vst.msk $0xffff, v0;
	p1 =	sgt.s32 s29, $0x7F;
	s29 =	smul.u32 $0xC0, s30;
	s31 =	sadd.s32 $0xFFFFFFC0, s0  }
0x62: {  	v62 =	vld [tilespmem:s22+$0x20];
	[tilespmem:s24+$0x810 ss:$0x81] =	vst.msk $0xffff, v5;
	s0 =	ssub.s32 $0xC0, s0;
	s30 =	smul.u32 $0x180000, s12;
	s23 =	simm.s32 @p1 $0x0  }
0x63: {  	v63 =	vld [tilespmem:s22+$0xFFFFFFC0];
	[tilespmem:s24+$0x1020 ss:$0x81] =	vst.msk $0xffff, v58;
	p1 =	sgt.s32 s31, $0x7F;
	s31 =	sor.u32 s27, s28;
	s28 =	smul.u32 $0x1800, s11  }
0x64: {  	[tilespmem:s24+$0x1830 ss:$0x81] =	vst.msk $0xffff, v59;
	s23 =	smul.u32 s23, s26;
	s0 =	simm.s32 @p1 $0x0;
	s25 =	ssub.s32 s25, s29  }
.Ltmp4:
0x65: {  	[tilespmem:s24+$0x2040 ss:$0x81] =	vst.msk $0xffff, v60;
	s22 =	sadd.s32 s2, s30;
	s29 =	sshrl.u32 s31, $0x3;
	(pc) =	sbr.rel .LBB1_5-.Ltmp4, $4  }
0x66: {  	[tilespmem:s24+$0x2850 ss:$0x81] =	vst.msk $0xffff, v61;
	s30 =	sand.u32 $0x7, s9;
	s22 =	sadd.s32 s28, s22;
	s0 =	smul.u32 s0, s23  }
0x67: {  	[tilespmem:s24+$0x3060 ss:$0x81] =	vst.msk $0xffff, v62;
	s25 =	sshll.u32 s25, $0x5;
	s31 =	sshll.u32 s30, $0x12;
	s22 =	sadd.s32 s29, s22  }
0x68: {  	[tilespmem:s24+$0x0 ss:$0x81] =	vst.msk $0xffff, v63;
	s23 =	sor.u32 $0x400, s31;
	s22 =	sadd.s32 s25, s22;
	s0 =	sand.u32 $0x3FFFFFFF, s0  }
0x69: {  	[hbm4b:s22+s23] =	stream.strided.scatter [tilespmem:s21], [sflag:$0x2], s0, s7, s23, $0x20;
	[tilespmem:$0x10100] =	vst v63  }
.LBB1_6:
0x6a: {  	_ =	sfence.sel $0x180000  }
0x6b: {  	s0 =	simm.s32 $0x1;
	[bflag:$0x0] =	sbarrier.arrive $0xFFFF  }
0x6c: {  	s31 =	simm.s32 $0x2;
	[sflag:s0] =	ssyncpa.u1 $0x1  }
0x6d: {  	[sflag:s31] =	ssyncpa.u1 $0x1  }
0x6e: {  	_ =	strace $0x9000004A  }
0x6f: {  	[bflag:$0x2] =	sbarrier.arrive $0xFFFF  }
0x70: {  	p0 =	sne.s32 s1, $0x0;
	s0 =	rddreg [dreg:$0x2]  }
0x71: {  	s0 =	sadd.s32 @!p0 $0x100000, s0  }
0x72: {  	[sflag:s0] =	ssyncadd.tile.s32 @!p0 $0x1;
	_ =	shalt  }
.Lfunc_end1:
_tile_overlayer_lowered:
.L_overlay_start_2:
0x73: {  	(tag) =	ssettag $0x2  }
0x74: {  	s0 =	rddreg [dreg:$0x0];
	s2 =	stileid.u32  }
0x75: {  	s1 =	rddreg [dreg:$0x1];
	p0 =	sne.s32 s2, $0x0  }
0x76: {  	s3 =	rddreg [dreg:$0x2];
	[bflag:$0x3] =	sbarrier.arrive $0xFFFF;
	s2 =	simm.s32 @!p0 $0x1C01  }
0x77: {  	[timem:s3], [sflag:s2] =	dma.local @!p0 [hbm:s0], s1  }
0x78: {  	s0 =	simm.s32 @!p0 $0x1  }
0x79: {  	_ =	swait.ge @!p0 [sflag:s0], s1  }
0x7a: {  	s1 =	ssub.s32 @!p0 $0x0, s1;
	[sflag:s0] =	ssyncset.done @!p0 $0x0  }
0x7b: {  	[sflag:s0] =	ssyncadd.s32 @!p0 s1  }
0x7c: {  	[bflag:$0x3] =	sbarrier.arrive $0xFFFF  }
0x7d: {  	_ =	shalt  }

</sc_bundles>
